<compile_context>
chip_gen: v7x
topology: tpu7x:2x2x1
jax: 0.10.2.dev20260603
libtpu: 0.0.44.dev20260713+nightly
codegen_flags: <defaults>
</compile_context>

<pallas_src>
import functools
import math

import jax
import jax.numpy as jnp
from jax import lax
from jax.experimental import pallas as pl
from jax.experimental.pallas import tpu as pltpu
from jax.experimental.pallas import tpu_sc as plsc

_VOCAB = 100000
_HID = 2048
_HEAD_DIM = 128
_BASE = 10000.0
_B, _S = 2, 2048

_NTOK = _B * _S
_NW = 32
_BPW = _NTOK // _NW
_CH = 16
_NCH = _BPW // _CH
_NBUF = 3
_WPB = _S // _BPW


@functools.partial(
    pl.kernel,
    out_type=jax.ShapeDtypeStruct((_NTOK, _HID), jnp.float32),
    mesh=plsc.VectorSubcoreMesh(core_axis_name="c", subcore_axis_name="s"),
    scratch_types=[
        pltpu.VMEM((_BPW,), jnp.int32),
        pltpu.VMEM((_NBUF, _CH, _HID), jnp.float32),
        pltpu.SemaphoreType.DMA((_NBUF,)),
        pltpu.SemaphoreType.DMA((_NBUF,)),
    ],
)
def _emb_gather(ids_hbm, w_hbm, out_hbm, idx_v, bufs, gsem, osem):
    wid = lax.axis_index("s") * 2 + lax.axis_index("c")
    pltpu.sync_copy(
        ids_hbm.at[wid // _WPB, pl.ds((wid % _WPB) * _BPW, _BPW)], idx_v)

    def gather(k):
        b = k % _NBUF
        return pltpu.make_async_copy(
            w_hbm.at[idx_v.at[pl.ds(k * _CH, _CH)]], bufs.at[b], gsem.at[b])

    def out_copy(k):
        b = k % _NBUF
        return pltpu.make_async_copy(
            bufs.at[b], out_hbm.at[pl.ds(wid * _BPW + k * _CH, _CH)],
            osem.at[b])

    gather(0).start()
    gather(1).start()

    def step(k, carry):
        gather(k).wait()
        out_copy(k).start()

        @pl.when(k + 2 < _NCH)
        def _():
            @pl.when(k >= 1)
            def _():
                out_copy(k - 1).wait()
            gather(k + 2).start()

        return carry

    lax.fori_loop(0, _NCH, step, 0, unroll=False)

    def drain(k, carry):
        out_copy(k).wait()
        return carry

    lax.fori_loop(_NCH - _NBUF, _NCH, drain, 0, unroll=False)


def _rot_body(cos_ref, sin_ref):
    half = _HEAD_DIM // 2
    shape = (1, 1, _S, half)
    pos = lax.broadcasted_iota(jnp.int32, shape, 2).astype(jnp.float32)
    j = lax.broadcasted_iota(jnp.int32, shape, 3).astype(jnp.float32)
    inv_freq = jnp.exp(j * (-math.log(_BASE) / half))
    freqs = pos * inv_freq
    c = jnp.cos(freqs)
    s = jnp.sin(freqs)
    for b in range(_B):
        for h in range(2):
            cos_ref[b, :, :, pl.ds(h * half, half)] = c[0]
            sin_ref[b, :, :, pl.ds(h * half, half)] = s[0]


_rot = pl.pallas_call(
    _rot_body,
    out_shape=[jax.ShapeDtypeStruct((_B, 1, _S, _HEAD_DIM), jnp.float32)] * 2,
)


def kernel(input_ids, W):
    flat = _emb_gather(input_ids, W)
    hidden_states = flat.reshape(_B, _S, _HID)
    cos_g, sin_g = _rot()
    return (hidden_states, cos_g, sin_g)

# --- scband reference (transcript-rebuilt; emitter-appended) ---
"""Pipeline reference for scband-before-decoder-module-70781061038457 (READ-ONLY COPY).

The authoritative reference and input builder live on the scoring server;
editing this copy changes nothing except your own understanding.
"""

import jax, jax.numpy as jnp
import numpy as np

VOCAB = 100000
HID = 2048
NHEAD = 16
HEAD_DIM = 128
PADDED_HEADS = 0
MAXPOS = 2048
BASE = 10000.0
B, S = 2, 2048


def _rotary_cache():
    inv_freq = 1.0 / (BASE ** (jnp.arange(0, HEAD_DIM, 2, dtype=jnp.float32) / HEAD_DIM))
    t = jnp.arange(MAXPOS, dtype=jnp.float32)
    freqs = jnp.einsum('i,j->ij', t, inv_freq)
    emb = jnp.concatenate([freqs, freqs], axis=-1)
    cos_cached = jnp.cos(emb)[None, None, :, :]
    sin_cached = jnp.sin(emb)[None, None, :, :]
    return cos_cached, sin_cached


def setup_inputs(seed: int = 0) -> dict:
    key = jax.random.key(seed)
    k1, k2 = jax.random.split(key)
    input_ids = jax.random.randint(k1, (B, S), 0, VOCAB, dtype=jnp.int32)
    W = jax.random.normal(k2, (VOCAB, HID), dtype=jnp.float32) * 0.02
    return {"input_ids": input_ids, "W": W}


def _gather_cos_sin(cos, sin, position_ids, batch_size):
    # mirrors torch.gather along dim=2 with repeated indices
    S_local = position_ids.shape[1]
    idx = jnp.broadcast_to(position_ids[:, None, :, None], (batch_size, cos.shape[1], S_local, cos.shape[3]))
    cos_full = jnp.broadcast_to(cos, (batch_size, cos.shape[1], cos.shape[2], cos.shape[3]))
    sin_full = jnp.broadcast_to(sin, (batch_size, sin.shape[1], sin.shape[2], sin.shape[3]))
    cos_g = jnp.take_along_axis(cos_full, idx, axis=2)
    sin_g = jnp.take_along_axis(sin_full, idx, axis=2)
    return cos_g, sin_g


def reference(input_ids, W):
    batch_size, seq_length = input_ids.shape
    # embedding lookup (memory-bound gather)
    inputs_embeds = jnp.take(W, input_ids, axis=0)
    padded_hidden = HID + (HID // NHEAD) * PADDED_HEADS
    hidden_states = jnp.zeros((batch_size, seq_length, padded_hidden), dtype=jnp.float32)
    hidden_states = hidden_states.at[:, :, :HID].set(inputs_embeds)
    cos, sin = _rotary_cache()
    position_ids = jnp.arange(seq_length, dtype=jnp.int32)[None, :]
    cos_g, sin_g = _gather_cos_sin(cos, sin, position_ids, batch_size)
    return (hidden_states, cos_g, sin_g)

if __name__ == "__main__":
    import jax
    _d = setup_inputs()
    print(jax.jit(kernel)(*tuple(_d.values())))

</pallas_src>

<mosaic_0001>
#map = affine_map<(d0, d1) -> (0, 0)>
module attributes {stable_mosaic.version = 14 : i64} {
  func.func @_emb_gather(%arg0: i32, %arg1: i32, %arg2: memref<2x2048xi32, #tpu.memory_space<hbm>>, %arg3: memref<100000x2048xf32, #tpu.memory_space<hbm>>, %arg4: memref<4096x2048xf32, #tpu.memory_space<hbm>>, %arg5: memref<128xi32, #tpu.memory_space<vmem>>, %arg6: memref<3x16x2048xf32, #tpu.memory_space<vmem>>, %arg7: memref<3x!tpu.dma_semaphore, #tpu.memory_space<semaphore_mem>>, %arg8: memref<3x!tpu.dma_semaphore, #tpu.memory_space<semaphore_mem>>) attributes {dimension_semantics = [#tpu.dimension_semantics<core_parallel>, #tpu.dimension_semantics<subcore_parallel>], iteration_bounds = array<i64: 2, 16>, scalar_prefetch = 0 : i64, scratch_operands = 4 : i64, tpu.core_type = #tpu.core_type<sc_vector_subcore>, window_params = [{transform_indices = #map}, {transform_indices = #map}, {transform_indices = #map}]} {
    %mul3A = arith.constant 2 : i32
    %mul3A_0 = arith.muli %arg1, %mul3A : i32
    %add3A = arith.addi %mul3A_0, %arg0 : i32
    %jit3A = arith.constant 16 : i32
    %div3A = arith.divsi %add3A, %jit3A : i32
    %sign3A = arith.constant 0 : i32
    %sign3A_1 = arith.cmpi sgt, %add3A, %sign3A : i32
    %sign3A_2 = arith.extui %sign3A_1 : i1 to i32
    %sign3A_3 = arith.constant 0 : i32
    %sign3A_4 = arith.cmpi slt, %add3A, %sign3A_3 : i32
    %sign3A_5 = arith.extui %sign3A_4 : i1 to i32
    %sign3A_6 = arith.subi %sign3A_2, %sign3A_5 : i32
    %sign3A_7 = arith.constant 0 : i32
    %sign3A_8 = arith.cmpi sgt, %jit3A, %sign3A_7 : i32
    %sign3A_9 = arith.extui %sign3A_8 : i1 to i32
    %sign3A_10 = arith.constant 0 : i32
    %sign3A_11 = arith.cmpi slt, %jit3A, %sign3A_10 : i32
    %sign3A_12 = arith.extui %sign3A_11 : i1 to i32
    %sign3A_13 = arith.subi %sign3A_9, %sign3A_12 : i32
    %ne3A = arith.cmpi ne, %sign3A_6, %sign3A_13 : i32
    %rem3A = arith.remsi %add3A, %jit3A : i32
    %ne3A_14 = arith.constant 0 : i32
    %ne3A_15 = arith.cmpi ne, %rem3A, %ne3A_14 : i32
    %and3A = arith.andi %ne3A, %ne3A_15 : i1
    %sub3A = arith.constant 1 : i32
    %sub3A_16 = arith.subi %div3A, %sub3A : i32
    %select_n3A = arith.select %and3A, %sub3A_16, %div3A : i32
    %jit3A_17 = arith.constant 16 : i32
    %eq3A = arith.constant 0 : i32
    %eq3A_18 = arith.cmpi eq, %jit3A_17, %eq3A : i32
    %jit3A_19 = arith.constant 1 : i32
    %select_n3A_20 = arith.select %eq3A_18, %jit3A_19, %jit3A_17 : i32
    %rem3A_21 = arith.remsi %add3A, %select_n3A_20 : i32
    %ne3A_22 = arith.constant 0 : i32
    %ne3A_23 = arith.cmpi ne, %rem3A_21, %ne3A_22 : i32
    %lt3A = arith.constant 0 : i32
    %lt3A_24 = arith.cmpi slt, %rem3A_21, %lt3A : i32
    %lt3A_25 = arith.constant 0 : i32
    %lt3A_26 = arith.cmpi slt, %select_n3A_20, %lt3A_25 : i32
    %ne3A_27 = arith.xori %lt3A_24, %lt3A_26 : i1
    %and3A_28 = arith.andi %ne3A_27, %ne3A_23 : i1
    %add3A_29 = arith.addi %rem3A_21, %select_n3A_20 : i32
    %select_n3A_30 = arith.select %and3A_28, %add3A_29, %rem3A_21 : i32
    %mul3A_31 = arith.constant 128 : i32
    %mul3A_32 = arith.muli %select_n3A_30, %mul3A_31 : i32
    "tpu.region"() ({
      %run_scoped3A = tpu.sem_alloc : memref<!tpu.dma_semaphore, #tpu.memory_space<semaphore_mem>>
      %dma_start3A_69 = tpu.memref_slice %arg2[%select_n3A, %mul3A_32] : memref<2x2048xi32, #tpu.memory_space<hbm>> -> memref<1x128xi32, #tpu.memory_space<hbm>>
      %dma_start3A_70 = tpu.memref_squeeze %dma_start3A_69 : memref<1x128xi32, #tpu.memory_space<hbm>> -> memref<128xi32, #tpu.memory_space<hbm>>
      %dma_start3A_71 = tpu.memref_slice %arg2[%select_n3A, %mul3A_32] : memref<2x2048xi32, #tpu.memory_space<hbm>> -> memref<1x128xi32, #tpu.memory_space<hbm>>
      %dma_start3A_72 = tpu.memref_squeeze %dma_start3A_71 : memref<1x128xi32, #tpu.memory_space<hbm>> -> memref<128xi32, #tpu.memory_space<hbm>>
      tpu.enqueue_dma source(%dma_start3A_72 : memref<128xi32, #tpu.memory_space<hbm>>) target(%arg5 : memref<128xi32, #tpu.memory_space<vmem>>) target_semaphore(%run_scoped3A : memref<!tpu.dma_semaphore, #tpu.memory_space<semaphore_mem>>)
      %dma_wait3A = tpu.memref_slice %arg2[%select_n3A, %mul3A_32] : memref<2x2048xi32, #tpu.memory_space<hbm>> -> memref<1x128xi32, #tpu.memory_space<hbm>>
      %dma_wait3A_73 = tpu.memref_squeeze %dma_wait3A : memref<1x128xi32, #tpu.memory_space<hbm>> -> memref<128xi32, #tpu.memory_space<hbm>>
      %dma_wait3A_74 = tpu.memref_slice %arg2[%select_n3A, %mul3A_32] : memref<2x2048xi32, #tpu.memory_space<hbm>> -> memref<1x128xi32, #tpu.memory_space<hbm>>
      %dma_wait3A_75 = tpu.memref_squeeze %dma_wait3A_74 : memref<1x128xi32, #tpu.memory_space<hbm>> -> memref<128xi32, #tpu.memory_space<hbm>>
      tpu.wait_dma2 semaphore(%run_scoped3A : memref<!tpu.dma_semaphore, #tpu.memory_space<semaphore_mem>>) src(%dma_wait3A_75 : memref<128xi32, #tpu.memory_space<hbm>>) dst(%arg5 : memref<128xi32, #tpu.memory_space<vmem>>)
      tpu.yield
    }) : () -> ()
    %dma_start3A = arith.constant 0 : i32
    %dma_start3A_33 = arith.constant 0 : i32
    %dma_start3A_34 = arith.constant 0 : i32
    %dma_start3A_35 = arith.constant 0 : i32
    %dma_start3A_36 = tpu.memref_slice %arg6[%dma_start3A, %dma_start3A_34, %dma_start3A_35] : memref<3x16x2048xf32, #tpu.memory_space<vmem>> -> memref<1x16x2048xf32, #tpu.memory_space<vmem>>
    %dma_start3A_37 = tpu.memref_squeeze %dma_start3A_36 : memref<1x16x2048xf32, #tpu.memory_space<vmem>> -> memref<16x2048xf32, #tpu.memory_space<vmem>>
    %dma_start3A_38 = arith.constant 0 : i32
    %dma_start3A_39 = tpu.memref_slice %arg5[%dma_start3A_38] : memref<128xi32, #tpu.memory_space<vmem>> -> memref<16xi32, #tpu.memory_space<vmem>>
    %dma_start3A_40 = arith.constant 0 : i32
    %dma_start3A_41 = arith.constant 0 : i32
    %dma_start3A_42 = tpu.memref_slice %arg3[%dma_start3A_40, %dma_start3A_41] : memref<100000x2048xf32, #tpu.memory_space<hbm>> -> memref<100000x2048xf32, #tpu.memory_space<hbm>>
    %dma_start3A_43 = tpu.memref_slice %arg7[%dma_start3A_33] : memref<3x!tpu.dma_semaphore, #tpu.memory_space<semaphore_mem>> -> memref<1x!tpu.dma_semaphore, #tpu.memory_space<semaphore_mem>>
    %dma_start3A_44 = tpu.memref_squeeze %dma_start3A_43 : memref<1x!tpu.dma_semaphore, #tpu.memory_space<semaphore_mem>> -> memref<!tpu.dma_semaphore, #tpu.memory_space<semaphore_mem>>
    tpu.enqueue_indirect_dma source(%dma_start3A_42 : memref<100000x2048xf32, #tpu.memory_space<hbm>>) target(%dma_start3A_37 : memref<16x2048xf32, #tpu.memory_space<vmem>>) offsets(%dma_start3A_39 : memref<16xi32, #tpu.memory_space<vmem>>) semaphore(%dma_start3A_44 : memref<!tpu.dma_semaphore, #tpu.memory_space<semaphore_mem>>)
    %dma_start3A_45 = arith.constant 1 : i32
    %dma_start3A_46 = arith.constant 1 : i32
    %dma_start3A_47 = arith.constant 0 : i32
    %dma_start3A_48 = arith.constant 0 : i32
    %dma_start3A_49 = tpu.memref_slice %arg6[%dma_start3A_45, %dma_start3A_47, %dma_start3A_48] : memref<3x16x2048xf32, #tpu.memory_space<vmem>> -> memref<1x16x2048xf32, #tpu.memory_space<vmem>>
    %dma_start3A_50 = tpu.memref_squeeze %dma_start3A_49 : memref<1x16x2048xf32, #tpu.memory_space<vmem>> -> memref<16x2048xf32, #tpu.memory_space<vmem>>
    %dma_start3A_51 = arith.constant 16 : i32
    %dma_start3A_52 = tpu.memref_slice %arg5[%dma_start3A_51] : memref<128xi32, #tpu.memory_space<vmem>> -> memref<16xi32, #tpu.memory_space<vmem>>
    %dma_start3A_53 = arith.constant 0 : i32
    %dma_start3A_54 = arith.constant 0 : i32
    %dma_start3A_55 = tpu.memref_slice %arg3[%dma_start3A_53, %dma_start3A_54] : memref<100000x2048xf32, #tpu.memory_space<hbm>> -> memref<100000x2048xf32, #tpu.memory_space<hbm>>
    %dma_start3A_56 = tpu.memref_slice %arg7[%dma_start3A_46] : memref<3x!tpu.dma_semaphore, #tpu.memory_space<semaphore_mem>> -> memref<1x!tpu.dma_semaphore, #tpu.memory_space<semaphore_mem>>
    %dma_start3A_57 = tpu.memref_squeeze %dma_start3A_56 : memref<1x!tpu.dma_semaphore, #tpu.memory_space<semaphore_mem>> -> memref<!tpu.dma_semaphore, #tpu.memory_space<semaphore_mem>>
    tpu.enqueue_indirect_dma source(%dma_start3A_55 : memref<100000x2048xf32, #tpu.memory_space<hbm>>) target(%dma_start3A_50 : memref<16x2048xf32, #tpu.memory_space<vmem>>) offsets(%dma_start3A_52 : memref<16xi32, #tpu.memory_space<vmem>>) semaphore(%dma_start3A_57 : memref<!tpu.dma_semaphore, #tpu.memory_space<semaphore_mem>>)
    %scan3A = arith.constant 0 : i32
    %scan3A_58 = arith.constant 0 : i32
    %scan3A_59 = arith.constant 8 : i32
    %scan3A_60 = arith.addi %scan3A_58, %scan3A_59 : i32
    %scan3A_61 = arith.constant 1 : i32
    scf.for %scan3A_69 = %scan3A_58 to %scan3A_60 step %scan3A_61  : i32 {
      %jit3A_70 = arith.constant 3 : i32
      %eq3A_71 = arith.constant 0 : i32
      %eq3A_72 = arith.cmpi eq, %jit3A_70, %eq3A_71 : i32
      %jit3A_73 = arith.constant 1 : i32
      %select_n3A_74 = arith.select %eq3A_72, %jit3A_73, %jit3A_70 : i32
      %rem3A_75 = arith.remsi %scan3A_69, %select_n3A_74 : i32
      %ne3A_76 = arith.constant 0 : i32
      %ne3A_77 = arith.cmpi ne, %rem3A_75, %ne3A_76 : i32
      %lt3A_78 = arith.constant 0 : i32
      %lt3A_79 = arith.cmpi slt, %rem3A_75, %lt3A_78 : i32
      %lt3A_80 = arith.constant 0 : i32
      %lt3A_81 = arith.cmpi slt, %select_n3A_74, %lt3A_80 : i32
      %ne3A_82 = arith.xori %lt3A_79, %lt3A_81 : i1
      %and3A_83 = arith.andi %ne3A_82, %ne3A_77 : i1
      %add3A_84 = arith.addi %rem3A_75, %select_n3A_74 : i32
      %select_n3A_85 = arith.select %and3A_83, %add3A_84, %rem3A_75 : i32
      %mul3A_86 = arith.constant 16 : i32
      %mul3A_87 = arith.muli %scan3A_69, %mul3A_86 : i32
      %dma_wait3A = arith.constant 0 : i32
      %dma_wait3A_88 = arith.constant 0 : i32
      %dma_wait3A_89 = tpu.memref_slice %arg6[%select_n3A_85, %dma_wait3A, %dma_wait3A_88] : memref<3x16x2048xf32, #tpu.memory_space<vmem>> -> memref<1x16x2048xf32, #tpu.memory_space<vmem>>
      %dma_wait3A_90 = tpu.memref_squeeze %dma_wait3A_89 : memref<1x16x2048xf32, #tpu.memory_space<vmem>> -> memref<16x2048xf32, #tpu.memory_space<vmem>>
      %dma_wait3A_91 = tpu.memref_slice %arg5[%mul3A_87] : memref<128xi32, #tpu.memory_space<vmem>> -> memref<16xi32, #tpu.memory_space<vmem>>
      %dma_wait3A_92 = arith.constant 0 : i32
      %dma_wait3A_93 = arith.constant 0 : i32
      %dma_wait3A_94 = tpu.memref_slice %arg3[%dma_wait3A_92, %dma_wait3A_93] : memref<100000x2048xf32, #tpu.memory_space<hbm>> -> memref<100000x2048xf32, #tpu.memory_space<hbm>>
      %dma_wait3A_95 = tpu.memref_slice %arg7[%select_n3A_85] : memref<3x!tpu.dma_semaphore, #tpu.memory_space<semaphore_mem>> -> memref<1x!tpu.dma_semaphore, #tpu.memory_space<semaphore_mem>>
      %dma_wait3A_96 = tpu.memref_squeeze %dma_wait3A_95 : memref<1x!tpu.dma_semaphore, #tpu.memory_space<semaphore_mem>> -> memref<!tpu.dma_semaphore, #tpu.memory_space<semaphore_mem>>
      tpu.wait_indirect_dma semaphore(%dma_wait3A_96 : memref<!tpu.dma_semaphore, #tpu.memory_space<semaphore_mem>>) src(%dma_wait3A_94 : memref<100000x2048xf32, #tpu.memory_space<hbm>>) dst(%dma_wait3A_90 : memref<16x2048xf32, #tpu.memory_space<vmem>>)
      %jit3A_97 = arith.constant 3 : i32
      %eq3A_98 = arith.constant 0 : i32
      %eq3A_99 = arith.cmpi eq, %jit3A_97, %eq3A_98 : i32
      %jit3A_100 = arith.constant 1 : i32
      %select_n3A_101 = arith.select %eq3A_99, %jit3A_100, %jit3A_97 : i32
      %rem3A_102 = arith.remsi %scan3A_69, %select_n3A_101 : i32
      %ne3A_103 = arith.constant 0 : i32
      %ne3A_104 = arith.cmpi ne, %rem3A_102, %ne3A_103 : i32
      %lt3A_105 = arith.constant 0 : i32
      %lt3A_106 = arith.cmpi slt, %rem3A_102, %lt3A_105 : i32
      %lt3A_107 = arith.constant 0 : i32
      %lt3A_108 = arith.cmpi slt, %select_n3A_101, %lt3A_107 : i32
      %ne3A_109 = arith.xori %lt3A_106, %lt3A_108 : i1
      %and3A_110 = arith.andi %ne3A_109, %ne3A_104 : i1
      %add3A_111 = arith.addi %rem3A_102, %select_n3A_101 : i32
      %select_n3A_112 = arith.select %and3A_110, %add3A_111, %rem3A_102 : i32
      %mul3A_113 = arith.constant 128 : i32
      %mul3A_114 = arith.muli %add3A, %mul3A_113 : i32
      %mul3A_115 = arith.constant 16 : i32
      %mul3A_116 = arith.muli %scan3A_69, %mul3A_115 : i32
      %add3A_117 = arith.addi %mul3A_114, %mul3A_116 : i32
      %dma_start3A_118 = arith.constant 0 : i32
      %dma_start3A_119 = arith.constant 0 : i32
      %dma_start3A_120 = tpu.memref_slice %arg6[%select_n3A_112, %dma_start3A_118, %dma_start3A_119] : memref<3x16x2048xf32, #tpu.memory_space<vmem>> -> memref<1x16x2048xf32, #tpu.memory_space<vmem>>
      %dma_start3A_121 = tpu.memref_squeeze %dma_start3A_120 : memref<1x16x2048xf32, #tpu.memory_space<vmem>> -> memref<16x2048xf32, #tpu.memory_space<vmem>>
      %dma_start3A_122 = arith.constant 0 : i32
      %dma_start3A_123 = tpu.memref_slice %arg4[%add3A_117, %dma_start3A_122] : memref<4096x2048xf32, #tpu.memory_space<hbm>> -> memref<16x2048xf32, #tpu.memory_space<hbm>>
      %dma_start3A_124 = tpu.memref_slice %arg8[%select_n3A_112] : memref<3x!tpu.dma_semaphore, #tpu.memory_space<semaphore_mem>> -> memref<1x!tpu.dma_semaphore, #tpu.memory_space<semaphore_mem>>
      %dma_start3A_125 = tpu.memref_squeeze %dma_start3A_124 : memref<1x!tpu.dma_semaphore, #tpu.memory_space<semaphore_mem>> -> memref<!tpu.dma_semaphore, #tpu.memory_space<semaphore_mem>>
      %dma_start3A_126 = arith.constant 0 : i32
      %dma_start3A_127 = tpu.memref_slice %arg4[%add3A_117, %dma_start3A_126] : memref<4096x2048xf32, #tpu.memory_space<hbm>> -> memref<16x2048xf32, #tpu.memory_space<hbm>>
      %dma_start3A_128 = arith.constant 0 : i32
      %dma_start3A_129 = arith.constant 0 : i32
      %dma_start3A_130 = tpu.memref_slice %arg6[%select_n3A_112, %dma_start3A_128, %dma_start3A_129] : memref<3x16x2048xf32, #tpu.memory_space<vmem>> -> memref<1x16x2048xf32, #tpu.memory_space<vmem>>
      %dma_start3A_131 = tpu.memref_squeeze %dma_start3A_130 : memref<1x16x2048xf32, #tpu.memory_space<vmem>> -> memref<16x2048xf32, #tpu.memory_space<vmem>>
      tpu.enqueue_dma source(%dma_start3A_131 : memref<16x2048xf32, #tpu.memory_space<vmem>>) target(%dma_start3A_127 : memref<16x2048xf32, #tpu.memory_space<hbm>>) target_semaphore(%dma_start3A_125 : memref<!tpu.dma_semaphore, #tpu.memory_space<semaphore_mem>>)
      %add3A_132 = arith.constant 2 : i32
      %add3A_133 = arith.addi %scan3A_69, %add3A_132 : i32
      %lt3A_134 = arith.constant 8 : i32
      %lt3A_135 = arith.cmpi slt, %add3A_133, %lt3A_134 : i32
      %convert_element_type3A = arith.extui %lt3A_135 : i1 to i32
      %cond3A = arith.constant 0 : i32
      %cond3A_136 = arith.cmpi ne, %convert_element_type3A, %cond3A : i32
      scf.if %cond3A_136 {
        %ge3A = arith.constant 1 : i32
        %ge3A_137 = arith.cmpi sge, %scan3A_69, %ge3A : i32
        %convert_element_type3A_138 = arith.extui %ge3A_137 : i1 to i32
        %cond3A_139 = arith.constant 0 : i32
        %cond3A_140 = arith.cmpi ne, %convert_element_type3A_138, %cond3A_139 : i32
        scf.if %cond3A_140 {
          %sub3A_171 = arith.constant 1 : i32
          %sub3A_172 = arith.subi %scan3A_69, %sub3A_171 : i32
          %jit3A_173 = arith.constant 3 : i32
          %eq3A_174 = arith.constant 0 : i32
          %eq3A_175 = arith.cmpi eq, %jit3A_173, %eq3A_174 : i32
          %jit3A_176 = arith.constant 1 : i32
          %select_n3A_177 = arith.select %eq3A_175, %jit3A_176, %jit3A_173 : i32
          %rem3A_178 = arith.remsi %sub3A_172, %select_n3A_177 : i32
          %ne3A_179 = arith.constant 0 : i32
          %ne3A_180 = arith.cmpi ne, %rem3A_178, %ne3A_179 : i32
          %lt3A_181 = arith.constant 0 : i32
          %lt3A_182 = arith.cmpi slt, %rem3A_178, %lt3A_181 : i32
          %lt3A_183 = arith.constant 0 : i32
          %lt3A_184 = arith.cmpi slt, %select_n3A_177, %lt3A_183 : i32
          %ne3A_185 = arith.xori %lt3A_182, %lt3A_184 : i1
          %and3A_186 = arith.andi %ne3A_185, %ne3A_180 : i1
          %add3A_187 = arith.addi %rem3A_178, %select_n3A_177 : i32
          %select_n3A_188 = arith.select %and3A_186, %add3A_187, %rem3A_178 : i32
          %mul3A_189 = arith.constant 128 : i32
          %mul3A_190 = arith.muli %add3A, %mul3A_189 : i32
          %mul3A_191 = arith.constant 16 : i32
          %mul3A_192 = arith.muli %sub3A_172, %mul3A_191 : i32
          %add3A_193 = arith.addi %mul3A_190, %mul3A_192 : i32
          %dma_wait3A_194 = arith.constant 0 : i32
          %dma_wait3A_195 = arith.constant 0 : i32
          %dma_wait3A_196 = tpu.memref_slice %arg6[%select_n3A_188, %dma_wait3A_194, %dma_wait3A_195] : memref<3x16x2048xf32, #tpu.memory_space<vmem>> -> memref<1x16x2048xf32, #tpu.memory_space<vmem>>
          %dma_wait3A_197 = tpu.memref_squeeze %dma_wait3A_196 : memref<1x16x2048xf32, #tpu.memory_space<vmem>> -> memref<16x2048xf32, #tpu.memory_space<vmem>>
          %dma_wait3A_198 = arith.constant 0 : i32
          %dma_wait3A_199 = tpu.memref_slice %arg4[%add3A_193, %dma_wait3A_198] : memref<4096x2048xf32, #tpu.memory_space<hbm>> -> memref<16x2048xf32, #tpu.memory_space<hbm>>
          %dma_wait3A_200 = tpu.memref_slice %arg8[%select_n3A_188] : memref<3x!tpu.dma_semaphore, #tpu.memory_space<semaphore_mem>> -> memref<1x!tpu.dma_semaphore, #tpu.memory_space<semaphore_mem>>
          %dma_wait3A_201 = tpu.memref_squeeze %dma_wait3A_200 : memref<1x!tpu.dma_semaphore, #tpu.memory_space<semaphore_mem>> -> memref<!tpu.dma_semaphore, #tpu.memory_space<semaphore_mem>>
          %dma_wait3A_202 = arith.constant 0 : i32
          %dma_wait3A_203 = tpu.memref_slice %arg4[%add3A_193, %dma_wait3A_202] : memref<4096x2048xf32, #tpu.memory_space<hbm>> -> memref<16x2048xf32, #tpu.memory_space<hbm>>
          %dma_wait3A_204 = arith.constant 0 : i32
          %dma_wait3A_205 = arith.constant 0 : i32
          %dma_wait3A_206 = tpu.memref_slice %arg6[%select_n3A_188, %dma_wait3A_204, %dma_wait3A_205] : memref<3x16x2048xf32, #tpu.memory_space<vmem>> -> memref<1x16x2048xf32, #tpu.memory_space<vmem>>
          %dma_wait3A_207 = tpu.memref_squeeze %dma_wait3A_206 : memref<1x16x2048xf32, #tpu.memory_space<vmem>> -> memref<16x2048xf32, #tpu.memory_space<vmem>>
          tpu.wait_dma2 semaphore(%dma_wait3A_201 : memref<!tpu.dma_semaphore, #tpu.memory_space<semaphore_mem>>) src(%dma_wait3A_207 : memref<16x2048xf32, #tpu.memory_space<vmem>>) dst(%dma_wait3A_203 : memref<16x2048xf32, #tpu.memory_space<hbm>>)
        } else {
        }
        %add3A_141 = arith.constant 2 : i32
        %add3A_142 = arith.addi %scan3A_69, %add3A_141 : i32
        %jit3A_143 = arith.constant 3 : i32
        %eq3A_144 = arith.constant 0 : i32
        %eq3A_145 = arith.cmpi eq, %jit3A_143, %eq3A_144 : i32
        %jit3A_146 = arith.constant 1 : i32
        %select_n3A_147 = arith.select %eq3A_145, %jit3A_146, %jit3A_143 : i32
        %rem3A_148 = arith.remsi %add3A_142, %select_n3A_147 : i32
        %ne3A_149 = arith.constant 0 : i32
        %ne3A_150 = arith.cmpi ne, %rem3A_148, %ne3A_149 : i32
        %lt3A_151 = arith.constant 0 : i32
        %lt3A_152 = arith.cmpi slt, %rem3A_148, %lt3A_151 : i32
        %lt3A_153 = arith.constant 0 : i32
        %lt3A_154 = arith.cmpi slt, %select_n3A_147, %lt3A_153 : i32
        %ne3A_155 = arith.xori %lt3A_152, %lt3A_154 : i1
        %and3A_156 = arith.andi %ne3A_155, %ne3A_150 : i1
        %add3A_157 = arith.addi %rem3A_148, %select_n3A_147 : i32
        %select_n3A_158 = arith.select %and3A_156, %add3A_157, %rem3A_148 : i32
        %mul3A_159 = arith.constant 16 : i32
        %mul3A_160 = arith.muli %add3A_142, %mul3A_159 : i32
        %dma_start3A_161 = arith.constant 0 : i32
        %dma_start3A_162 = arith.constant 0 : i32
        %dma_start3A_163 = tpu.memref_slice %arg6[%select_n3A_158, %dma_start3A_161, %dma_start3A_162] : memref<3x16x2048xf32, #tpu.memory_space<vmem>> -> memref<1x16x2048xf32, #tpu.memory_space<vmem>>
        %dma_start3A_164 = tpu.memref_squeeze %dma_start3A_163 : memref<1x16x2048xf32, #tpu.memory_space<vmem>> -> memref<16x2048xf32, #tpu.memory_space<vmem>>
        %dma_start3A_165 = tpu.memref_slice %arg5[%mul3A_160] : memref<128xi32, #tpu.memory_space<vmem>> -> memref<16xi32, #tpu.memory_space<vmem>>
        %dma_start3A_166 = arith.constant 0 : i32
        %dma_start3A_167 = arith.constant 0 : i32
        %dma_start3A_168 = tpu.memref_slice %arg3[%dma_start3A_166, %dma_start3A_167] : memref<100000x2048xf32, #tpu.memory_space<hbm>> -> memref<100000x2048xf32, #tpu.memory_space<hbm>>
        %dma_start3A_169 = tpu.memref_slice %arg7[%select_n3A_158] : memref<3x!tpu.dma_semaphore, #tpu.memory_space<semaphore_mem>> -> memref<1x!tpu.dma_semaphore, #tpu.memory_space<semaphore_mem>>
        %dma_start3A_170 = tpu.memref_squeeze %dma_start3A_169 : memref<1x!tpu.dma_semaphore, #tpu.memory_space<semaphore_mem>> -> memref<!tpu.dma_semaphore, #tpu.memory_space<semaphore_mem>>
        tpu.enqueue_indirect_dma source(%dma_start3A_168 : memref<100000x2048xf32, #tpu.memory_space<hbm>>) target(%dma_start3A_164 : memref<16x2048xf32, #tpu.memory_space<vmem>>) offsets(%dma_start3A_165 : memref<16xi32, #tpu.memory_space<vmem>>) semaphore(%dma_start3A_170 : memref<!tpu.dma_semaphore, #tpu.memory_space<semaphore_mem>>)
      } else {
      }
    }
    %scan3A_62 = arith.constant 8 : i32
    %scan3A_63 = arith.constant 0 : i32
    %scan3A_64 = arith.constant 5 : i32
    %scan3A_65 = arith.constant 3 : i32
    %scan3A_66 = arith.addi %scan3A_64, %scan3A_65 : i32
    %scan3A_67 = arith.constant 1 : i32
    scf.for %scan3A_69 = %scan3A_64 to %scan3A_66 step %scan3A_67  : i32 {
      %jit3A_70 = arith.constant 3 : i32
      %eq3A_71 = arith.constant 0 : i32
      %eq3A_72 = arith.cmpi eq, %jit3A_70, %eq3A_71 : i32
      %jit3A_73 = arith.constant 1 : i32
      %select_n3A_74 = arith.select %eq3A_72, %jit3A_73, %jit3A_70 : i32
      %rem3A_75 = arith.remsi %scan3A_69, %select_n3A_74 : i32
      %ne3A_76 = arith.constant 0 : i32
      %ne3A_77 = arith.cmpi ne, %rem3A_75, %ne3A_76 : i32
      %lt3A_78 = arith.constant 0 : i32
      %lt3A_79 = arith.cmpi slt, %rem3A_75, %lt3A_78 : i32
      %lt3A_80 = arith.constant 0 : i32
      %lt3A_81 = arith.cmpi slt, %select_n3A_74, %lt3A_80 : i32
      %ne3A_82 = arith.xori %lt3A_79, %lt3A_81 : i1
      %and3A_83 = arith.andi %ne3A_82, %ne3A_77 : i1
      %add3A_84 = arith.addi %rem3A_75, %select_n3A_74 : i32
      %select_n3A_85 = arith.select %and3A_83, %add3A_84, %rem3A_75 : i32
      %mul3A_86 = arith.constant 128 : i32
      %mul3A_87 = arith.muli %add3A, %mul3A_86 : i32
      %mul3A_88 = arith.constant 16 : i32
      %mul3A_89 = arith.muli %scan3A_69, %mul3A_88 : i32
      %add3A_90 = arith.addi %mul3A_87, %mul3A_89 : i32
      %dma_wait3A = arith.constant 0 : i32
      %dma_wait3A_91 = arith.constant 0 : i32
      %dma_wait3A_92 = tpu.memref_slice %arg6[%select_n3A_85, %dma_wait3A, %dma_wait3A_91] : memref<3x16x2048xf32, #tpu.memory_space<vmem>> -> memref<1x16x2048xf32, #tpu.memory_space<vmem>>
      %dma_wait3A_93 = tpu.memref_squeeze %dma_wait3A_92 : memref<1x16x2048xf32, #tpu.memory_space<vmem>> -> memref<16x2048xf32, #tpu.memory_space<vmem>>
      %dma_wait3A_94 = arith.constant 0 : i32
      %dma_wait3A_95 = tpu.memref_slice %arg4[%add3A_90, %dma_wait3A_94] : memref<4096x2048xf32, #tpu.memory_space<hbm>> -> memref<16x2048xf32, #tpu.memory_space<hbm>>
      %dma_wait3A_96 = tpu.memref_slice %arg8[%select_n3A_85] : memref<3x!tpu.dma_semaphore, #tpu.memory_space<semaphore_mem>> -> memref<1x!tpu.dma_semaphore, #tpu.memory_space<semaphore_mem>>
      %dma_wait3A_97 = tpu.memref_squeeze %dma_wait3A_96 : memref<1x!tpu.dma_semaphore, #tpu.memory_space<semaphore_mem>> -> memref<!tpu.dma_semaphore, #tpu.memory_space<semaphore_mem>>
      %dma_wait3A_98 = arith.constant 0 : i32
      %dma_wait3A_99 = tpu.memref_slice %arg4[%add3A_90, %dma_wait3A_98] : memref<4096x2048xf32, #tpu.memory_space<hbm>> -> memref<16x2048xf32, #tpu.memory_space<hbm>>
      %dma_wait3A_100 = arith.constant 0 : i32
      %dma_wait3A_101 = arith.constant 0 : i32
      %dma_wait3A_102 = tpu.memref_slice %arg6[%select_n3A_85, %dma_wait3A_100, %dma_wait3A_101] : memref<3x16x2048xf32, #tpu.memory_space<vmem>> -> memref<1x16x2048xf32, #tpu.memory_space<vmem>>
      %dma_wait3A_103 = tpu.memref_squeeze %dma_wait3A_102 : memref<1x16x2048xf32, #tpu.memory_space<vmem>> -> memref<16x2048xf32, #tpu.memory_space<vmem>>
      tpu.wait_dma2 semaphore(%dma_wait3A_97 : memref<!tpu.dma_semaphore, #tpu.memory_space<semaphore_mem>>) src(%dma_wait3A_103 : memref<16x2048xf32, #tpu.memory_space<vmem>>) dst(%dma_wait3A_99 : memref<16x2048xf32, #tpu.memory_space<hbm>>)
    }
    %scan3A_68 = arith.constant 3 : i32
    return
  }
}

module attributes {stable_mosaic.version = 14 : i64} {
  func.func @_rot_body(%arg0: memref<2x1x2048x128xf32, #tpu.memory_space<vmem>>, %arg1: memref<2x1x2048x128xf32, #tpu.memory_space<vmem>>) attributes {dimension_semantics = [], scalar_prefetch = 0 : i64, scratch_operands = 0 : i64, tpu.core_type = #tpu.core_type<tc>} {
    %iota3A = tpu.iota {dimensions = array<i32: 2>} : vector<1x1x2048x64xi32>
    %convert_element_type3A = arith.sitofp %iota3A : vector<1x1x2048x64xi32> to vector<1x1x2048x64xf32>
    %iota3A_0 = tpu.iota {dimensions = array<i32: 3>} : vector<1x1x2048x64xi32>
    %convert_element_type3A_1 = arith.sitofp %iota3A_0 : vector<1x1x2048x64xi32> to vector<1x1x2048x64xf32>
    %mul3A = arith.constant -0.14391157 : f32
    %mul3A_2 = vector.broadcast %mul3A : f32 to vector<1x1x2048x64xf32>
    %mul3A_3 = arith.mulf %convert_element_type3A_1, %mul3A_2 : vector<1x1x2048x64xf32>
    %exp3A = math.exp %mul3A_3 : vector<1x1x2048x64xf32>
    %mul3A_4 = arith.mulf %convert_element_type3A, %exp3A : vector<1x1x2048x64xf32>
    %cos3A = math.cos %mul3A_4 : vector<1x1x2048x64xf32>
    %sin3A = math.sin %mul3A_4 : vector<1x1x2048x64xf32>
    %squeeze3A = vector.shape_cast %cos3A : vector<1x1x2048x64xf32> to vector<1x2048x64xf32>
    %swap3A = arith.constant 0 : index
    %swap3A_5 = arith.constant 0 : index
    %swap3A_6 = arith.constant 0 : index
    %swap3A_7 = arith.constant 0 : index
    %swap3A_8 = vector.load %arg0[%swap3A, %swap3A_5, %swap3A_6, %swap3A_7] : memref<2x1x2048x128xf32, #tpu.memory_space<vmem>>, vector<1x1x2048x64xf32>
    %swap3A_9 = vector.shape_cast %swap3A_8 : vector<1x1x2048x64xf32> to vector<1x2048x64xf32>
    %swap3A_10 = vector.shape_cast %squeeze3A : vector<1x2048x64xf32> to vector<1x1x2048x64xf32>
    tpu.vector_store %arg0[%swap3A, %swap3A_5, %swap3A_6, %swap3A_7], %swap3A_10 {strides = array<i32>} : memref<2x1x2048x128xf32, #tpu.memory_space<vmem>>, vector<1x1x2048x64xf32>,
    %squeeze3A_11 = vector.shape_cast %sin3A : vector<1x1x2048x64xf32> to vector<1x2048x64xf32>
    %swap3A_12 = arith.constant 0 : index
    %swap3A_13 = arith.constant 0 : index
    %swap3A_14 = arith.constant 0 : index
    %swap3A_15 = arith.constant 0 : index
    %swap3A_16 = vector.load %arg1[%swap3A_12, %swap3A_13, %swap3A_14, %swap3A_15] : memref<2x1x2048x128xf32, #tpu.memory_space<vmem>>, vector<1x1x2048x64xf32>
    %swap3A_17 = vector.shape_cast %swap3A_16 : vector<1x1x2048x64xf32> to vector<1x2048x64xf32>
    %swap3A_18 = vector.shape_cast %squeeze3A_11 : vector<1x2048x64xf32> to vector<1x1x2048x64xf32>
    tpu.vector_store %arg1[%swap3A_12, %swap3A_13, %swap3A_14, %swap3A_15], %swap3A_18 {strides = array<i32>} : memref<2x1x2048x128xf32, #tpu.memory_space<vmem>>, vector<1x1x2048x64xf32>,
    %squeeze3A_19 = vector.shape_cast %cos3A : vector<1x1x2048x64xf32> to vector<1x2048x64xf32>
    %swap3A_20 = arith.constant 0 : index
    %swap3A_21 = arith.constant 0 : index
    %swap3A_22 = arith.constant 0 : index
    %swap3A_23 = arith.constant 64 : index
    %swap3A_24 = vector.load %arg0[%swap3A_20, %swap3A_21, %swap3A_22, %swap3A_23] : memref<2x1x2048x128xf32, #tpu.memory_space<vmem>>, vector<1x1x2048x64xf32>
    %swap3A_25 = vector.shape_cast %swap3A_24 : vector<1x1x2048x64xf32> to vector<1x2048x64xf32>
    %swap3A_26 = vector.shape_cast %squeeze3A_19 : vector<1x2048x64xf32> to vector<1x1x2048x64xf32>
    tpu.vector_store %arg0[%swap3A_20, %swap3A_21, %swap3A_22, %swap3A_23], %swap3A_26 {strides = array<i32>} : memref<2x1x2048x128xf32, #tpu.memory_space<vmem>>, vector<1x1x2048x64xf32>,
    %squeeze3A_27 = vector.shape_cast %sin3A : vector<1x1x2048x64xf32> to vector<1x2048x64xf32>
    %swap3A_28 = arith.constant 0 : index
    %swap3A_29 = arith.constant 0 : index
    %swap3A_30 = arith.constant 0 : index
    %swap3A_31 = arith.constant 64 : index
    %swap3A_32 = vector.load %arg1[%swap3A_28, %swap3A_29, %swap3A_30, %swap3A_31] : memref<2x1x2048x128xf32, #tpu.memory_space<vmem>>, vector<1x1x2048x64xf32>
    %swap3A_33 = vector.shape_cast %swap3A_32 : vector<1x1x2048x64xf32> to vector<1x2048x64xf32>
    %swap3A_34 = vector.shape_cast %squeeze3A_27 : vector<1x2048x64xf32> to vector<1x1x2048x64xf32>
    tpu.vector_store %arg1[%swap3A_28, %swap3A_29, %swap3A_30, %swap3A_31], %swap3A_34 {strides = array<i32>} : memref<2x1x2048x128xf32, #tpu.memory_space<vmem>>, vector<1x1x2048x64xf32>,
    %squeeze3A_35 = vector.shape_cast %cos3A : vector<1x1x2048x64xf32> to vector<1x2048x64xf32>
    %swap3A_36 = arith.constant 1 : index
    %swap3A_37 = arith.constant 0 : index
    %swap3A_38 = arith.constant 0 : index
    %swap3A_39 = arith.constant 0 : index
    %swap3A_40 = vector.load %arg0[%swap3A_36, %swap3A_37, %swap3A_38, %swap3A_39] : memref<2x1x2048x128xf32, #tpu.memory_space<vmem>>, vector<1x1x2048x64xf32>
    %swap3A_41 = vector.shape_cast %swap3A_40 : vector<1x1x2048x64xf32> to vector<1x2048x64xf32>
    %swap3A_42 = vector.shape_cast %squeeze3A_35 : vector<1x2048x64xf32> to vector<1x1x2048x64xf32>
    tpu.vector_store %arg0[%swap3A_36, %swap3A_37, %swap3A_38, %swap3A_39], %swap3A_42 {strides = array<i32>} : memref<2x1x2048x128xf32, #tpu.memory_space<vmem>>, vector<1x1x2048x64xf32>,
    %squeeze3A_43 = vector.shape_cast %sin3A : vector<1x1x2048x64xf32> to vector<1x2048x64xf32>
    %swap3A_44 = arith.constant 1 : index
    %swap3A_45 = arith.constant 0 : index
    %swap3A_46 = arith.constant 0 : index
    %swap3A_47 = arith.constant 0 : index
    %swap3A_48 = vector.load %arg1[%swap3A_44, %swap3A_45, %swap3A_46, %swap3A_47] : memref<2x1x2048x128xf32, #tpu.memory_space<vmem>>, vector<1x1x2048x64xf32>
    %swap3A_49 = vector.shape_cast %swap3A_48 : vector<1x1x2048x64xf32> to vector<1x2048x64xf32>
    %swap3A_50 = vector.shape_cast %squeeze3A_43 : vector<1x2048x64xf32> to vector<1x1x2048x64xf32>
    tpu.vector_store %arg1[%swap3A_44, %swap3A_45, %swap3A_46, %swap3A_47], %swap3A_50 {strides = array<i32>} : memref<2x1x2048x128xf32, #tpu.memory_space<vmem>>, vector<1x1x2048x64xf32>,
    %squeeze3A_51 = vector.shape_cast %cos3A : vector<1x1x2048x64xf32> to vector<1x2048x64xf32>
    %swap3A_52 = arith.constant 1 : index
    %swap3A_53 = arith.constant 0 : index
    %swap3A_54 = arith.constant 0 : index
    %swap3A_55 = arith.constant 64 : index
    %swap3A_56 = vector.load %arg0[%swap3A_52, %swap3A_53, %swap3A_54, %swap3A_55] : memref<2x1x2048x128xf32, #tpu.memory_space<vmem>>, vector<1x1x2048x64xf32>
    %swap3A_57 = vector.shape_cast %swap3A_56 : vector<1x1x2048x64xf32> to vector<1x2048x64xf32>
    %swap3A_58 = vector.shape_cast %squeeze3A_51 : vector<1x2048x64xf32> to vector<1x1x2048x64xf32>
    tpu.vector_store %arg0[%swap3A_52, %swap3A_53, %swap3A_54, %swap3A_55], %swap3A_58 {strides = array<i32>} : memref<2x1x2048x128xf32, #tpu.memory_space<vmem>>, vector<1x1x2048x64xf32>,
    %squeeze3A_59 = vector.shape_cast %sin3A : vector<1x1x2048x64xf32> to vector<1x2048x64xf32>
    %swap3A_60 = arith.constant 1 : index
    %swap3A_61 = arith.constant 0 : index
    %swap3A_62 = arith.constant 0 : index
    %swap3A_63 = arith.constant 64 : index
    %swap3A_64 = vector.load %arg1[%swap3A_60, %swap3A_61, %swap3A_62, %swap3A_63] : memref<2x1x2048x128xf32, #tpu.memory_space<vmem>>, vector<1x1x2048x64xf32>
    %swap3A_65 = vector.shape_cast %swap3A_64 : vector<1x1x2048x64xf32> to vector<1x2048x64xf32>
    %swap3A_66 = vector.shape_cast %squeeze3A_59 : vector<1x2048x64xf32> to vector<1x1x2048x64xf32>
    tpu.vector_store %arg1[%swap3A_60, %swap3A_61, %swap3A_62, %swap3A_63], %swap3A_66 {strides = array<i32>} : memref<2x1x2048x128xf32, #tpu.memory_space<vmem>>, vector<1x1x2048x64xf32>,
    return
  }
}

</mosaic_0001>

<sc_bundles>
// kernel: kernel.4.cloned.1.call-start
scs
__scs_entry_jumppad:
0x0: {  	(pc) =	sbr.rel $0x88, $3  }
0x1: {  	(tag) =	ssettag $0x0;
	lr =	simm.s32 $0x1  }
0x2: {  	[smem:$0x3F9F] =	sst lr;
	_ =	strace $0xD0000000  }
0x3: {  	_ = 	snop  }
0x4: {  	_ = 	snop  }
0x5: {  	_ = 	snop  }
0x6: {  	_ = 	snop  }
0x7: {  	_ = 	snop  }
__scs_overlays_trampoline_lowered:
0x8: {  	[smem:$0x3FAE] =	sst s0  }
0x9: {  	[smem:$0x3FAF] =	sst s1  }
0xa: {  	[smem:$0x3FB0] =	sst s2  }
0xb: {  	[smem:$0x3FB1] =	sst s3  }
0xc: {  	[smem:$0x3FB2] =	sst s4  }
0xd: {  	[smem:$0x3FB3] =	sst s5  }
0xe: {  	[smem:$0x3FB4] =	sst s6  }
0xf: {  	[smem:$0x3FB5] =	sst s7  }
0x10: {  	[smem:$0x3FB6] =	sst s8  }
0x11: {  	[smem:$0x3FB7] =	sst s9;
	s0 =	simm.s32 @!p0 $0x0  }
0x12: {  	s1 =	sld [smem:$0x3F9D];
	s0 =	simm.s32 @p0 $0x1  }
0x13: {  	[smem:$0x3FB8] =	sst s0;
	s0 =	simm.s32 @!p1 $0x0  }
0x14: {  	s2 =	sld [smem:$0x3F9C];
	s0 =	simm.s32 @p1 $0x1  }
0x15: {  	[smem:$0x3FB9] =	sst s0;
	s0 =	simm.s32 @!p2 $0x0  }
0x16: {  	s3 =	sld [smem:$0x3FDB];
	s0 =	simm.s32 @p2 $0x1  }
0x17: {  	s4 =	simm.s32 $0x1BF5;
	[smem:$0x3FBB] =	sst s0  }
0x18: {  	s0 =	sld [smem:$0x3F9E];
	_ =	swait.ge [sflag:s4], $0x0  }
0x19: {  	s7 =	sld [smem:$0x3F9F]  }
0x1a: {  	s8 =	sadd.s32 $0xFFFFE003, lr  }
0x1b: {  	s9 =	sadd.s32 $0xFFFFFEF7, lr;
	s5 =	simm.s32 $0xFFFFFFFF;
	p2 =	slt.u32 s8, $0xFFFFF086  }
0x1c: {  	p1 =	slt.u32 s9, $0xF7A;
	s5 =	simm.s32 @!p2 $0x0  }
0x1d: {  	s5 =	simm.s32 @p1 $0x1;
	p0 =	seq.s32 s7, s2  }
0x1e: {  	s7 =	smul.u32 @!p0 $0xF7A, s2;
	p2 =	seq.s32 @!p0 s5, $0x0  }
0x1f: {  	s9 =	smul.u32 $0xF7A, s1;
	s8 =	simm.s32 @!p0 $0x1BF5;
	p2 =	por !p2, p0  }
0x20: {  	[sflag:s8] =	ssyncset.s32 @!p0 $0xFFFFF086;
	s6 =	sadd.s32 @!p0 s3, s7;
	s7 =	simm.s32 @!p0 $0x108  }
0x21: {  	s3 =	sadd.s32 s3, s9;
	s6 =	sadd.s32 @!p0 $0x88, s6;
	s7 =	simm.s32 @p2 $0x1082  }
0x22: {  	[simem:s7], [sflag:s8] =	dma.local @!p0 [hbm:s6], $0xF7A  }
0x23: {  	s9 =	sor.u32 $0xD0000000, s2;
	s6 =	simm.s32 $0x108;
	_ =	swait.ge @!p0 [sflag:s8], $0x0  }
0x24: {  	s3 =	sadd.s32 $0x88, s3;
	s6 =	simm.s32 @!p1 $0x1082;
	[sflag:s4] =	ssyncset.s32 $0xFFFFF086  }
0x25: {  	[simem:s6], [sflag:s4] =	dma.local [hbm:s3], $0xF7A  }
0x26: {  	[smem:$0x3F9F] =	sst s1;
	(tag) =	ssettag s2;
	_ =	strace s9  }
0x27: {  	s1 =	sld [smem:$0x3FAF]  }
0x28: {  	s2 =	sld [smem:$0x3FB0]  }
0x29: {  	s4 =	sld [smem:$0x3FB2]  }
0x2a: {  	p0 =	seq.s32 s5, $0x0;
	s5 =	sld [smem:$0x3FB3]  }
0x2b: {  	s6 =	sld [smem:$0x3FB4]  }
0x2c: {  	s7 =	sld [smem:$0x3FB5]  }
0x2d: {  	s3 =	simm.s32 $0x108;
	s8 =	sld [smem:$0x3FB6]  }
0x2e: {  	s3 =	simm.s32 @!p0 $0x1082;
	s9 =	sld [smem:$0x3FB7]  }
0x2f: {  	lr =	sadd.s32 s0, s3;
	s0 =	sld [smem:$0x3FAE]  }
0x30: {  	s3 =	sld [smem:$0x3FB1]  }
0x31: {  	[smem:$0x3FBA] =	sst s10  }
0x32: {  	s10 =	sld [smem:$0x3FB8];
	_ =	sdelay $0x3  }
0x33: {  	p0 =	seq.s32 s10, $0x1;
	s10 =	sld [smem:$0x3FBA];
	_ =	sdelay $0x3  }
0x34: {  	[smem:$0x3FBA] =	sst s10  }
0x35: {  	s10 =	sld [smem:$0x3FB9];
	_ =	sdelay $0x3  }
0x36: {  	p1 =	seq.s32 s10, $0x1;
	s10 =	sld [smem:$0x3FBA];
	_ =	sdelay $0x3  }
0x37: {  	[smem:$0x3FBA] =	sst s10  }
0x38: {  	s10 =	sld [smem:$0x3FBB]  }
0x39: {  	_ = 	snop;
	(pc) =	sbr.ind lr, $3  }
0x3a: {  	_ = 	snop  }
0x3b: {  	_ = 	snop  }
0x3c: {  	p2 =	seq.s32 s10, $0x1;
	s10 =	sld [smem:$0x3FBA]  }
0x3d: {  	_ =	shalt  }
0x3e: {  	_ =	shalt  }
0x3f: {  	_ =	shalt  }
0x40: {  	_ =	shalt  }
0x41: {  	_ =	shalt  }
0x42: {  	_ =	shalt  }
0x43: {  	_ =	shalt  }
0x44: {  	_ =	shalt  }
0x45: {  	_ =	shalt  }
0x46: {  	_ =	shalt  }
0x47: {  	_ =	shalt  }
0x48: {  	_ =	shalt  }
0x49: {  	_ =	shalt  }
0x4a: {  	_ =	shalt  }
0x4b: {  	_ =	shalt  }
0x4c: {  	_ =	shalt  }
0x4d: {  	_ =	shalt  }
0x4e: {  	_ =	shalt  }
0x4f: {  	_ =	shalt  }
0x50: {  	_ =	shalt  }
0x51: {  	_ =	shalt  }
0x52: {  	_ =	shalt  }
0x53: {  	_ =	shalt  }
0x54: {  	_ =	shalt  }
0x55: {  	_ =	shalt  }
0x56: {  	_ =	shalt  }
0x57: {  	_ =	shalt  }
0x58: {  	_ =	shalt  }
0x59: {  	_ =	shalt  }
0x5a: {  	_ =	shalt  }
0x5b: {  	_ =	shalt  }
0x5c: {  	_ =	shalt  }
0x5d: {  	_ =	shalt  }
0x5e: {  	_ =	shalt  }
0x5f: {  	_ =	shalt  }
0x60: {  	_ =	shalt  }
0x61: {  	_ =	shalt  }
0x62: {  	_ =	shalt  }
0x63: {  	_ =	shalt  }
0x64: {  	_ =	shalt  }
0x65: {  	_ =	shalt  }
0x66: {  	_ =	shalt  }
0x67: {  	_ =	shalt  }
0x68: {  	_ =	shalt  }
0x69: {  	_ =	shalt  }
0x6a: {  	_ =	shalt  }
0x6b: {  	_ =	shalt  }
0x6c: {  	_ =	shalt  }
0x6d: {  	_ =	shalt  }
0x6e: {  	_ =	shalt  }
0x6f: {  	_ =	shalt  }
0x70: {  	_ =	shalt  }
0x71: {  	_ =	shalt  }
0x72: {  	_ =	shalt  }
0x73: {  	_ =	shalt  }
0x74: {  	_ =	shalt  }
0x75: {  	_ =	shalt  }
0x76: {  	_ =	shalt  }
0x77: {  	_ =	shalt  }
0x78: {  	_ =	shalt  }
0x79: {  	_ =	shalt  }
0x7a: {  	_ =	shalt  }
0x7b: {  	_ =	shalt  }
0x7c: {  	_ =	shalt  }
0x7d: {  	_ =	shalt  }
0x7e: {  	_ =	shalt  }
0x7f: {  	_ =	shalt  }
0x80: {  	_ =	shalt  }
0x81: {  	_ =	shalt  }
0x82: {  	_ =	shalt  }
0x83: {  	_ =	shalt  }
0x84: {  	_ =	shalt  }
0x85: {  	_ =	shalt  }
0x86: {  	_ =	shalt  }
0x87: {  	_ =	shalt  }
.Lfunc_end0:
.L_simem_size_0:
called_computation_lowered:
.L_overlay_start_0:
0x88: {  	s2 =	sld [smem:$0x3FD9]  }
0x89: {  	s3 =	sld [smem:$0x3FFE];
	_ =	sdelay $0x1  }
0x8a: {  	s1 =	srdreg.scid  }
0x8b: {  	s0 =	sand.u32 $0x1, s1  }
0x8c: {  	s15 =	sshll.u32 s0, $0xA;
	s2 =	sadd.s32 s3, s2  }
0x8d: {  	s2 =	sadd.s32 s2, s15  }
0x8e: {  	[smem:$0x3FC6] =	sst s2  }
0x8f: {  	_ = 	snop  }
0x90: {  	s2 =	sld [smem:$0x3FD0];
	_ =	sdelay $0x1  }
0x91: {  	s16 =	sld [smem:$0x3FC9]  }
0x92: {  	s5 =	simm.s32 $0xA;
	s6 =	simm.s32 $0x10;
	s4 =	sld [smem:$0x3FC8]  }
0x93: {  	[smem:s6], [sflag:s5] =	dma.local [hbm:s2], $0x1  }
0x94: {  	_ =	swait.eq [sflag:s5], $0x1  }
0x95: {  	[sflag:s5] =	ssyncset.done $0x0  }
0x96: {  	[sflag:s5] =	ssyncadd.s32 $0xFFFFFFFF  }
0x97: {  	s17 =	sld [smem:$0x10];
	(tm) =	ssettm $0x1  }
0x98: {  	s18 =	sld [smem:$0x3FFB];
	_ =	sdelay $0x3  }
0x99: {  	_ =	strace s18  }
0x9a: {  	s5 =	sld [smem:$0x3FFC];
	_ =	sdelay $0x3  }
0x9b: {  	_ =	strace s5  }
0x9c: {  	s5 =	sld [smem:$0x3FFD];
	_ =	sdelay $0x3  }
0x9d: {  	_ =	strace s5  }
0x9e: {  	_ =	strace $0x8FFFFFFF  }
0x9f: {  	s19 =	sld [smem:$0x3FDB];
	_ =	sdelay $0x1  }
0xa0: {  	s20 =	simm.s32 $_scs_section_size  }
0xa1: {  	s7 =	simm.s32 $_size__tile_overlayer_lowered;
	s8 =	simm.s32 $_tile_overlayer_lowered  }
0xa2: {  	s23 =	simm.s32 $0x1BFF;
	s22 =	sshll.u32 s8, $0x1;
	s5 =	sadd.s32 s20, s19  }
0xa3: {  	s9 =	simm.s32 $0x0;
	s21 =	sshll.u32 s7, $0x1;
	s7 =	sadd.s32 s22, s5  }
0xa4: {  	[timem:s9], [sflag:s23] =	dma.local [hbm:s7], s21  }
0xa5: {  	_ =	swait.ge [sflag:s23], s21  }
0xa6: {  	s6 =	ssub.s32 $0x0, s21;
	[sflag:s23] =	ssyncset.done $0x0  }
0xa7: {  	[sflag:s23] =	ssyncadd.s32 s6;
	_ =	sdelay $0x1  }
0xa8: {  	s24 =	simm.s32 $0x1B8B  }
0xa9: {  	_ =	swait.ge [sflag:s24], $0x1  }
0xaa: {  	[sflag:s24] =	ssyncset.done $0x0  }
0xab: {  	s25 =	simm.s32 $0x1B8E;
	[sflag:s24] =	ssyncadd.s32 $0xFFFFFFFF  }
0xac: {  	s26 =	simm.s32 $execute0_lowered;
	[smem:$0x3FD2] =	sst s25  }
0xad: {  	s6 =	sshll.u32 s26, $0x1;
	_ =	strace $0x80000046;
	[dreg:$0x1] =	wrdreg $0xFFFFFFFF  }
0xae: {  	s28 =	simm.s32 $_size_execute0_lowered;
	s5 =	sadd.s32 s5, s6;
	[dreg:$0x0] =	wrdreg $0x0  }
0xaf: {  	s6 =	sshll.u32 s28, $0x1;
	[dreg:$0x2] =	wrdreg s5  }
0xb0: {  	[dreg:$0x3] =	wrdreg s6  }
0xb1: {  	[dreg:$0x4] =	wrdreg $0xC0  }
0xb2: {  	_ =	task [dreg:s9], $0x5FFFF  }
0xb3: {  	[dreg:$0x1] =	wrdreg $0xFFFFFFFF  }
0xb4: {  	[dreg:$0x0] =	wrdreg $0x60  }
0xb5: {  	[dreg:$0x2] =	wrdreg s16  }
0xb6: {  	[dreg:$0x3] =	wrdreg s4  }
0xb7: {  	[dreg:$0x4] =	wrdreg s17  }
0xb8: {  	[dreg:$0x5] =	wrdreg $0x9  }
0xb9: {  	_ =	task.clear_ibuf [dreg:s9], $0x6FFFF;
	_ =	strace $0x90000046  }
0xba: {  	s29 =	simm.s32 $0x9;
	_ =	strace $0x80000048  }
0xbb: {  	_ =	swait.ge [sflag:s29], $0x1  }
0xbc: {  	[sflag:s29] =	ssyncadd.s32 $0xFFFFFFFF  }
0xbd: {  	_ =	strace $0x90000048  }
0xbe: {  	_ =	sfence  }
0xbf: {  	s30 =	sld [smem:$0x0];
	_ =	sdelay $0x2  }
0xc0: {  	s31 =	sshll.u32 s1, $0xD;
	s1 =	sshrl.u32 s1, $0x2  }
0xc1: {  	s3 =	sand.u32 $0x4000, s31;
	s1 =	sadd.s32 s1, s30  }
0xc2: {  	s0 =	sor.u32 s3, s0;
	s1 =	sshll.u32 s1, $0x11  }
0xc3: {  	s0 =	sor.u32 s1, s0  }
0xc4: {  	s0 =	sadd.s32 $0x8F2B, s0  }
0xc5: {  	[sflag:s0] =	ssyncadd.remote.s32 $0x1  }
0xc6: {  	_ =	sfence.sel $0xFFFF  }
0xc7: {  	[dreg:$0x0] =	wrdreg $0xFFFFFFFF;
	(pc) =	sbr.abs _section_cstart, $3  }
0xc8: {  	[dreg:$0x1] =	wrdreg $0xFFFFFFFF  }
0xc9: {  	_ =	task.clear_ibuf [dreg:s9], $0x2FFFF;
	_ =	strace $0x9FFFFFFF  }
0xca: {  	(tm) =	ssettm $0x7FFFFFFF  }
0xcb: {  	_ =	shalt  }
tec
execute0_lowered:
.L_overlay_start_1:
0x0: {  	(tag) =	ssettag $0x1  }
0x1: {  	s0 =	rddreg [dreg:$0x0]  }
0x2: {  	s1 =	rddreg [dreg:$0x1]  }
0x3: {  	s2 =	rddreg [dreg:$0x2];
	s3 =	simm.s32 $0x0;
	s4 =	srdreg.scid  }
0x4: {  	s5 =	stileid.u32;
	s15 =	simm.s32 $0x1;
	s29 =	simm.s32 $0x2  }
0x5: {  	s30 =	simm.s32 $0x4;
	s31 =	simm.s32 $0x80;
	s14 =	simm.s32 $0x10080  }
0x6: {  	s16 =	simm.s32 $0x11080;
	s17 =	simm.s32 $0x11880;
	s18 =	simm.s32 $0x12080  }
0x7: {  	s19 =	simm.s32 $0x12880;
	s28 =	simm.s32 $0x16080;
	[smem:$0x7FF] =	sst s3  }
0x8: {  	s4 =	sand.u32 $0x1, s4;
	s5 =	sshll.u32 s5, $0x1;
	s9 =	sadd.s32 $0x500, s1  }
0x9: {  	s10 =	sadd.s32 $0x600, s1;
	s6 =	ssub.s32 $0x2, s4;
	s4 =	sor.u32 s4, s5  }
0xa: {  	s5 =	sand.u32 $0x10, s5;
	s8 =	sshll.u32 s4, $0x5;
	s4 =	sshll.u32 s4, $0xF  }
0xb: {  	s0 =	sadd.s32 s0, s5;
	s8 =	sand.u32 $0x1E0, s8;
	s2 =	sadd.s32 s2, s4  }
0xc: {  	_ =	strace $0x80000047;
	s0 =	sadd.s32 s8, s0;
	[dreg:$0xc] =	wrdreg s2  }
0xd: {  	s11 =	sadd.s32 $0x700, s1;
	s20 =	sadd.s32 $0x1000, s2;
	[dreg:$0x4] =	wrdreg s0  }
0xe: {  	s7 =	sshrl.u32 s6, $0x1;
	s21 =	sadd.s32 $0x2000, s2;
	[dreg:$0x5] =	wrdreg s20  }
0xf: {  	s5 =	sadd.s32 $0x100, s1;
	s22 =	sadd.s32 $0x3000, s2;
	[dreg:$0x6] =	wrdreg s21  }
0x10: {  	s12 =	ssub.s32 s6, s7;
	s23 =	sadd.s32 $0x4000, s2;
	[dreg:$0x7] =	wrdreg s22  }
0x11: {  	s6 =	sadd.s32 $0x200, s1;
	s24 =	sadd.s32 $0x5000, s2;
	[dreg:$0x8] =	wrdreg s23  }
0x12: {  	s7 =	sadd.s32 $0x300, s1;
	s25 =	sadd.s32 $0x6000, s2;
	[dreg:$0x9] =	wrdreg s24  }
0x13: {  	s8 =	sadd.s32 $0x400, s1;
	s26 =	sadd.s32 $0x7000, s2;
	[dreg:$0xa] =	wrdreg s25  }
0x14: {  	v2 =	vlaneseq.u32;
	s12 =	smax.u32 s12, $0x1;
	s2 =	simm.s32 $0x5;
	[dreg:$0xb] =	wrdreg s26  }
0x15: {  	vm0 =	vmmov $0xffff;
	v1 =	vshrl.u32 v2, $0x3;
	s20 =	simm.s32 $0x13080;
	s21 =	simm.s32 $0x13880;
	s22 =	simm.s32 $0x14080  }
0x16: {  	v0 =	vand.u32 $0x7, v2;
	v2 =	vor.u32 $0x8, v2;
	v1 =	vmul.u32 $0x8, v1;
	s23 =	simm.s32 $0x14880;
	s24 =	simm.s32 $0x15080;
	s25 =	simm.s32 $0x15880  }
.LBB2_1:
0x17: {  	s13 =	rddreg [dreg:$0x4];
	s0 =	simm.s32 $0x7  }
0x18: {  	[tilespmem:s3], [sflag:$0x7] =	stream.linear.gather [hbm4b:s13+s3], $0x80, $0x38;
	[tilespmem:$0x18080] =	vst v63  }
0x19: {  	_ =	swait.ge [sflag:s0], $0x80  }
0x1a: {  	[sflag:s0] =	ssyncset.done $0x0  }
0x1b: {  	[sflag:s0] =	ssyncadd.s32 $0xFFFFFF80  }
0x1c: {  	v3 =	vld [tilespmem:$0x0];
	_ =	sdelay $0x4  }
0x1d: {  	v4 =	vshll.u32 v3, $0x4  }
0x1e: {  	v3 =	vand.u32 $0x7, v3;
	v4 =	vand.u32 $0xFFFFFF80, v4  }
0x1f: {  	v3 =	vor.u32 v3, v4  }
0x20: {  	v4 =	vperm.xlane v3, v0;
	_ =	sdelay $0x1  }
0x21: {  	v4 =	vadd.s32 v1, v4;
	_ =	sdelay $0x4  }
0x22: {  	[tilespmem:s31], [sflag:$0x1] =	stream.indirect_vreg.gather [hbm4b:s1+s3], $0x80, v4, vm0, $0xb8;
	[tilespmem:$0x18080] =	vst v63  }
0x23: {  	s0 =	simm.s32 $0x880  }
0x24: {  	[tilespmem:s0], [sflag:$0x1] =	stream.indirect_vreg.gather [hbm4b:s5+s3], $0x80, v4, vm0, $0xb8;
	[tilespmem:$0x18080] =	vst v63  }
0x25: {  	s4 =	simm.s32 $0x1080  }
0x26: {  	[tilespmem:s4], [sflag:$0x1] =	stream.indirect_vreg.gather [hbm4b:s6+s3], $0x80, v4, vm0, $0xb8;
	[tilespmem:$0x18080] =	vst v63  }
0x27: {  	s13 =	simm.s32 $0x1880  }
0x28: {  	[tilespmem:s13], [sflag:$0x1] =	stream.indirect_vreg.gather [hbm4b:s7+s3], $0x80, v4, vm0, $0xb8;
	[tilespmem:$0x18080] =	vst v63  }
0x29: {  	s26 =	simm.s32 $0x2080  }
0x2a: {  	[tilespmem:s26], [sflag:$0x1] =	stream.indirect_vreg.gather [hbm4b:s8+s3], $0x80, v4, vm0, $0xb8;
	[tilespmem:$0x18080] =	vst v63  }
0x2b: {  	v3 =	vperm.xlane v3, v2;
	s4 =	simm.s32 $0x2880  }
0x2c: {  	[tilespmem:s4], [sflag:$0x1] =	stream.indirect_vreg.gather [hbm4b:s9+s3], $0x80, v4, vm0, $0xb8;
	[tilespmem:$0x18080] =	vst v63  }
0x2d: {  	v3 =	vadd.s32 v1, v3;
	s13 =	simm.s32 $0x3080  }
0x2e: {  	[tilespmem:s13], [sflag:$0x1] =	stream.indirect_vreg.gather [hbm4b:s10+s3], $0x80, v4, vm0, $0xb8;
	[tilespmem:$0x18080] =	vst v63  }
0x2f: {  	s4 =	simm.s32 $0x3880  }
0x30: {  	[tilespmem:s4], [sflag:$0x1] =	stream.indirect_vreg.gather [hbm4b:s11+s3], $0x80, v4, vm0, $0xb8;
	[tilespmem:$0x18080] =	vst v63  }
0x31: {  	s13 =	simm.s32 $0x4080  }
0x32: {  	[tilespmem:s13], [sflag:$0x1] =	stream.indirect_vreg.gather [hbm4b:s1+s3], $0x80, v3, vm0, $0xb8;
	[tilespmem:$0x18080] =	vst v63  }
0x33: {  	s4 =	simm.s32 $0x4880  }
0x34: {  	[tilespmem:s4], [sflag:$0x1] =	stream.indirect_vreg.gather [hbm4b:s5+s3], $0x80, v3, vm0, $0xb8;
	[tilespmem:$0x18080] =	vst v63  }
0x35: {  	s13 =	simm.s32 $0x5080  }
0x36: {  	[tilespmem:s13], [sflag:$0x1] =	stream.indirect_vreg.gather [hbm4b:s6+s3], $0x80, v3, vm0, $0xb8;
	[tilespmem:$0x18080] =	vst v63  }
0x37: {  	s4 =	simm.s32 $0x5880  }
0x38: {  	[tilespmem:s4], [sflag:$0x1] =	stream.indirect_vreg.gather [hbm4b:s7+s3], $0x80, v3, vm0, $0xb8;
	[tilespmem:$0x18080] =	vst v63  }
0x39: {  	s13 =	simm.s32 $0x6080  }
0x3a: {  	[tilespmem:s13], [sflag:$0x1] =	stream.indirect_vreg.gather [hbm4b:s8+s3], $0x80, v3, vm0, $0xb8;
	[tilespmem:$0x18080] =	vst v63  }
0x3b: {  	s4 =	simm.s32 $0x6880  }
0x3c: {  	[tilespmem:s4], [sflag:$0x1] =	stream.indirect_vreg.gather [hbm4b:s9+s3], $0x80, v3, vm0, $0xb8;
	[tilespmem:$0x18080] =	vst v63  }
0x3d: {  	s13 =	simm.s32 $0x7080  }
0x3e: {  	[tilespmem:s13], [sflag:$0x1] =	stream.indirect_vreg.gather [hbm4b:s10+s3], $0x80, v3, vm0, $0xb8;
	[tilespmem:$0x18080] =	vst v63  }
0x3f: {  	s4 =	simm.s32 $0x7880  }
0x40: {  	[tilespmem:s4], [sflag:$0x1] =	stream.indirect_vreg.gather [hbm4b:s11+s3], $0x80, v3, vm0, $0xb8;
	[tilespmem:$0x18080] =	vst v63  }
0x41: {  	v3 =	vld [tilespmem:$0x10];
	_ =	sdelay $0x4  }
0x42: {  	v57 =	vshll.u32 v3, $0x4  }
0x43: {  	v3 =	vand.u32 $0x7, v3;
	v4 =	vand.u32 $0xFFFFFF80, v57  }
0x44: {  	v3 =	vor.u32 v3, v4  }
0x45: {  	v4 =	vperm.xlane v3, v0;
	_ =	sdelay $0x1  }
0x46: {  	v4 =	vadd.s32 v1, v4;
	_ =	sdelay $0x3  }
0x47: {  	s0 =	simm.s32 $0x8080  }
0x48: {  	[tilespmem:s0], [sflag:$0x2] =	stream.indirect_vreg.gather [hbm4b:s1+s3], $0x80, v4, vm0, $0xb8;
	[tilespmem:$0x18080] =	vst v63  }
0x49: {  	s4 =	simm.s32 $0x8880  }
0x4a: {  	[tilespmem:s4], [sflag:$0x2] =	stream.indirect_vreg.gather [hbm4b:s5+s3], $0x80, v4, vm0, $0xb8;
	[tilespmem:$0x18080] =	vst v63  }
0x4b: {  	s13 =	simm.s32 $0x9080  }
0x4c: {  	[tilespmem:s13], [sflag:$0x2] =	stream.indirect_vreg.gather [hbm4b:s6+s3], $0x80, v4, vm0, $0xb8;
	[tilespmem:$0x18080] =	vst v63  }
0x4d: {  	s13 =	simm.s32 $0x9880  }
0x4e: {  	[tilespmem:s13], [sflag:$0x2] =	stream.indirect_vreg.gather [hbm4b:s7+s3], $0x80, v4, vm0, $0xb8;
	[tilespmem:$0x18080] =	vst v63  }
0x4f: {  	s13 =	simm.s32 $0xA080  }
0x50: {  	[tilespmem:s13], [sflag:$0x2] =	stream.indirect_vreg.gather [hbm4b:s8+s3], $0x80, v4, vm0, $0xb8;
	[tilespmem:$0x18080] =	vst v63  }
0x51: {  	v3 =	vperm.xlane v3, v2;
	s13 =	simm.s32 $0xA880  }
0x52: {  	[tilespmem:s13], [sflag:$0x2] =	stream.indirect_vreg.gather [hbm4b:s9+s3], $0x80, v4, vm0, $0xb8;
	[tilespmem:$0x18080] =	vst v63  }
0x53: {  	v3 =	vadd.s32 v1, v3;
	s13 =	simm.s32 $0xB080  }
0x54: {  	[tilespmem:s13], [sflag:$0x2] =	stream.indirect_vreg.gather [hbm4b:s10+s3], $0x80, v4, vm0, $0xb8;
	[tilespmem:$0x18080] =	vst v63  }
0x55: {  	s13 =	simm.s32 $0xB880  }
0x56: {  	[tilespmem:s13], [sflag:$0x2] =	stream.indirect_vreg.gather [hbm4b:s11+s3], $0x80, v4, vm0, $0xb8;
	[tilespmem:$0x18080] =	vst v63  }
0x57: {  	s13 =	simm.s32 $0xC080  }
0x58: {  	[tilespmem:s13], [sflag:$0x2] =	stream.indirect_vreg.gather [hbm4b:s1+s3], $0x80, v3, vm0, $0xb8;
	[tilespmem:$0x18080] =	vst v63  }
0x59: {  	s13 =	simm.s32 $0xC880  }
0x5a: {  	[tilespmem:s13], [sflag:$0x2] =	stream.indirect_vreg.gather [hbm4b:s5+s3], $0x80, v3, vm0, $0xb8;
	[tilespmem:$0x18080] =	vst v63  }
0x5b: {  	s13 =	simm.s32 $0xD080  }
0x5c: {  	[tilespmem:s13], [sflag:$0x2] =	stream.indirect_vreg.gather [hbm4b:s6+s3], $0x80, v3, vm0, $0xb8;
	[tilespmem:$0x18080] =	vst v63  }
0x5d: {  	s13 =	simm.s32 $0xD880  }
0x5e: {  	[tilespmem:s13], [sflag:$0x2] =	stream.indirect_vreg.gather [hbm4b:s7+s3], $0x80, v3, vm0, $0xb8;
	[tilespmem:$0x18080] =	vst v63  }
0x5f: {  	s13 =	simm.s32 $0xE080  }
0x60: {  	[tilespmem:s13], [sflag:$0x2] =	stream.indirect_vreg.gather [hbm4b:s8+s3], $0x80, v3, vm0, $0xb8;
	[tilespmem:$0x18080] =	vst v63  }
0x61: {  	s13 =	simm.s32 $0xE880  }
0x62: {  	[tilespmem:s13], [sflag:$0x2] =	stream.indirect_vreg.gather [hbm4b:s9+s3], $0x80, v3, vm0, $0xb8;
	[tilespmem:$0x18080] =	vst v63  }
0x63: {  	s13 =	simm.s32 $0xF080  }
0x64: {  	[tilespmem:s13], [sflag:$0x2] =	stream.indirect_vreg.gather [hbm4b:s10+s3], $0x80, v3, vm0, $0xb8;
	[tilespmem:$0x18080] =	vst v63  }
0x65: {  	s13 =	simm.s32 $0xF880  }
0x66: {  	[tilespmem:s13], [sflag:$0x2] =	stream.indirect_vreg.gather [hbm4b:s11+s3], $0x80, v3, vm0, $0xb8;
	[tilespmem:$0x18080] =	vst v63  }
0x67: {  	_ =	swait.ge [sflag:s15], $0x8000  }
0x68: {  	[sflag:s15] =	ssyncset.done $0x0  }
0x69: {  	s4 =	rddreg [dreg:$0xc];
	[sflag:s15] =	ssyncadd.s32 $0xFFFF8000  }
0x6a: {  	[hbm4b:s4+s3] =	stream.linear.scatter [tilespmem:s31], [sflag:$0x4], $0x8000, $0x38;
	[tilespmem:$0x18080] =	vst v63  }
0x6b: {  	v3 =	vld [tilespmem:$0x20];
	_ =	sdelay $0x4  }
0x6c: {  	v58 =	vshll.u32 v3, $0x4  }
0x6d: {  	v3 =	vand.u32 $0x7, v3;
	v4 =	vand.u32 $0xFFFFFF80, v58  }
0x6e: {  	v3 =	vor.u32 v3, v4  }
0x6f: {  	v4 =	vperm.xlane v3, v0;
	_ =	sdelay $0x1  }
0x70: {  	v4 =	vadd.s32 v1, v4;
	_ =	sdelay $0x4  }
0x71: {  	[tilespmem:s14], [sflag:$0x3] =	stream.indirect_vreg.gather [hbm4b:s1+s3], $0x80, v4, vm0, $0xb8;
	[tilespmem:$0x18080] =	vst v63  }
0x72: {  	s13 =	simm.s32 $0x10880  }
0x73: {  	[tilespmem:s13], [sflag:$0x3] =	stream.indirect_vreg.gather [hbm4b:s5+s3], $0x80, v4, vm0, $0xb8;
	[tilespmem:$0x18080] =	vst v63  }
0x74: {  	_ = 	snop  }
0x75: {  	[tilespmem:s16], [sflag:$0x3] =	stream.indirect_vreg.gather [hbm4b:s6+s3], $0x80, v4, vm0, $0xb8;
	[tilespmem:$0x18080] =	vst v63  }
0x76: {  	_ = 	snop  }
0x77: {  	[tilespmem:s17], [sflag:$0x3] =	stream.indirect_vreg.gather [hbm4b:s7+s3], $0x80, v4, vm0, $0xb8;
	[tilespmem:$0x18080] =	vst v63  }
0x78: {  	_ = 	snop  }
0x79: {  	[tilespmem:s18], [sflag:$0x3] =	stream.indirect_vreg.gather [hbm4b:s8+s3], $0x80, v4, vm0, $0xb8;
	[tilespmem:$0x18080] =	vst v63  }
0x7a: {  	v3 =	vperm.xlane v3, v2  }
0x7b: {  	[tilespmem:s19], [sflag:$0x3] =	stream.indirect_vreg.gather [hbm4b:s9+s3], $0x80, v4, vm0, $0xb8;
	[tilespmem:$0x18080] =	vst v63  }
0x7c: {  	v3 =	vadd.s32 v1, v3  }
0x7d: {  	[tilespmem:s20], [sflag:$0x3] =	stream.indirect_vreg.gather [hbm4b:s10+s3], $0x80, v4, vm0, $0xb8;
	[tilespmem:$0x18080] =	vst v63  }
0x7e: {  	_ = 	snop  }
0x7f: {  	[tilespmem:s21], [sflag:$0x3] =	stream.indirect_vreg.gather [hbm4b:s11+s3], $0x80, v4, vm0, $0xb8;
	[tilespmem:$0x18080] =	vst v63  }
0x80: {  	_ = 	snop  }
0x81: {  	[tilespmem:s22], [sflag:$0x3] =	stream.indirect_vreg.gather [hbm4b:s1+s3], $0x80, v3, vm0, $0xb8;
	[tilespmem:$0x18080] =	vst v63  }
0x82: {  	_ = 	snop  }
0x83: {  	[tilespmem:s23], [sflag:$0x3] =	stream.indirect_vreg.gather [hbm4b:s5+s3], $0x80, v3, vm0, $0xb8;
	[tilespmem:$0x18080] =	vst v63  }
0x84: {  	_ = 	snop  }
0x85: {  	[tilespmem:s24], [sflag:$0x3] =	stream.indirect_vreg.gather [hbm4b:s6+s3], $0x80, v3, vm0, $0xb8;
	[tilespmem:$0x18080] =	vst v63  }
0x86: {  	_ = 	snop  }
0x87: {  	[tilespmem:s25], [sflag:$0x3] =	stream.indirect_vreg.gather [hbm4b:s7+s3], $0x80, v3, vm0, $0xb8;
	[tilespmem:$0x18080] =	vst v63  }
0x88: {  	_ = 	snop  }
0x89: {  	[tilespmem:s28], [sflag:$0x3] =	stream.indirect_vreg.gather [hbm4b:s8+s3], $0x80, v3, vm0, $0xb8;
	[tilespmem:$0x18080] =	vst v63  }
0x8a: {  	s13 =	simm.s32 $0x16880  }
0x8b: {  	[tilespmem:s13], [sflag:$0x3] =	stream.indirect_vreg.gather [hbm4b:s9+s3], $0x80, v3, vm0, $0xb8;
	[tilespmem:$0x18080] =	vst v63  }
0x8c: {  	s13 =	simm.s32 $0x17080  }
0x8d: {  	[tilespmem:s13], [sflag:$0x3] =	stream.indirect_vreg.gather [hbm4b:s10+s3], $0x80, v3, vm0, $0xb8;
	[tilespmem:$0x18080] =	vst v63  }
0x8e: {  	s13 =	simm.s32 $0x17880  }
0x8f: {  	[tilespmem:s13], [sflag:$0x3] =	stream.indirect_vreg.gather [hbm4b:s11+s3], $0x80, v3, vm0, $0xb8;
	[tilespmem:$0x18080] =	vst v63  }
0x90: {  	_ =	swait.ge [sflag:s29], $0x8000  }
0x91: {  	[sflag:s29] =	ssyncset.done $0x0  }
0x92: {  	s4 =	rddreg [dreg:$0x5];
	[sflag:s29] =	ssyncadd.s32 $0xFFFF8000  }
0x93: {  	[hbm4b:s4+s3] =	stream.linear.scatter [tilespmem:s0], [sflag:$0x5], $0x8000, $0x38;
	[tilespmem:$0x18080] =	vst v63  }
0x94: {  	_ =	swait.ge [sflag:s30], $0x8000  }
0x95: {  	[sflag:s30] =	ssyncset.done $0x0  }
0x96: {  	[sflag:s30] =	ssyncadd.s32 $0xFFFF8000  }
0x97: {  	v3 =	vld [tilespmem:$0x30];
	_ =	sdelay $0x4  }
0x98: {  	v59 =	vshll.u32 v3, $0x4  }
0x99: {  	v3 =	vand.u32 $0x7, v3;
	v4 =	vand.u32 $0xFFFFFF80, v59  }
0x9a: {  	v3 =	vor.u32 v3, v4  }
0x9b: {  	v4 =	vperm.xlane v3, v0;
	_ =	sdelay $0x1  }
0x9c: {  	v4 =	vadd.s32 v1, v4;
	_ =	sdelay $0x4  }
0x9d: {  	[tilespmem:s31], [sflag:$0x1] =	stream.indirect_vreg.gather [hbm4b:s1+s3], $0x80, v4, vm0, $0xb8;
	[tilespmem:$0x18080] =	vst v63  }
0x9e: {  	s13 =	simm.s32 $0x880  }
0x9f: {  	[tilespmem:s13], [sflag:$0x1] =	stream.indirect_vreg.gather [hbm4b:s5+s3], $0x80, v4, vm0, $0xb8;
	[tilespmem:$0x18080] =	vst v63  }
0xa0: {  	s13 =	simm.s32 $0x1080  }
0xa1: {  	[tilespmem:s13], [sflag:$0x1] =	stream.indirect_vreg.gather [hbm4b:s6+s3], $0x80, v4, vm0, $0xb8;
	[tilespmem:$0x18080] =	vst v63  }
0xa2: {  	s13 =	simm.s32 $0x1880  }
0xa3: {  	[tilespmem:s13], [sflag:$0x1] =	stream.indirect_vreg.gather [hbm4b:s7+s3], $0x80, v4, vm0, $0xb8;
	[tilespmem:$0x18080] =	vst v63  }
0xa4: {  	s26 =	simm.s32 $0x2080  }
0xa5: {  	[tilespmem:s26], [sflag:$0x1] =	stream.indirect_vreg.gather [hbm4b:s8+s3], $0x80, v4, vm0, $0xb8;
	[tilespmem:$0x18080] =	vst v63  }
0xa6: {  	v3 =	vperm.xlane v3, v2;
	s26 =	simm.s32 $0x2880  }
0xa7: {  	[tilespmem:s26], [sflag:$0x1] =	stream.indirect_vreg.gather [hbm4b:s9+s3], $0x80, v4, vm0, $0xb8;
	[tilespmem:$0x18080] =	vst v63  }
0xa8: {  	v3 =	vadd.s32 v1, v3;
	s13 =	simm.s32 $0x3080  }
0xa9: {  	[tilespmem:s13], [sflag:$0x1] =	stream.indirect_vreg.gather [hbm4b:s10+s3], $0x80, v4, vm0, $0xb8;
	[tilespmem:$0x18080] =	vst v63  }
0xaa: {  	s26 =	simm.s32 $0x3880  }
0xab: {  	[tilespmem:s26], [sflag:$0x1] =	stream.indirect_vreg.gather [hbm4b:s11+s3], $0x80, v4, vm0, $0xb8;
	[tilespmem:$0x18080] =	vst v63  }
0xac: {  	s13 =	simm.s32 $0x4080  }
0xad: {  	[tilespmem:s13], [sflag:$0x1] =	stream.indirect_vreg.gather [hbm4b:s1+s3], $0x80, v3, vm0, $0xb8;
	[tilespmem:$0x18080] =	vst v63  }
0xae: {  	s26 =	simm.s32 $0x4880  }
0xaf: {  	[tilespmem:s26], [sflag:$0x1] =	stream.indirect_vreg.gather [hbm4b:s5+s3], $0x80, v3, vm0, $0xb8;
	[tilespmem:$0x18080] =	vst v63  }
0xb0: {  	s13 =	simm.s32 $0x5080  }
0xb1: {  	[tilespmem:s13], [sflag:$0x1] =	stream.indirect_vreg.gather [hbm4b:s6+s3], $0x80, v3, vm0, $0xb8;
	[tilespmem:$0x18080] =	vst v63  }
0xb2: {  	s26 =	simm.s32 $0x5880  }
0xb3: {  	[tilespmem:s26], [sflag:$0x1] =	stream.indirect_vreg.gather [hbm4b:s7+s3], $0x80, v3, vm0, $0xb8;
	[tilespmem:$0x18080] =	vst v63  }
0xb4: {  	s13 =	simm.s32 $0x6080  }
0xb5: {  	[tilespmem:s13], [sflag:$0x1] =	stream.indirect_vreg.gather [hbm4b:s8+s3], $0x80, v3, vm0, $0xb8;
	[tilespmem:$0x18080] =	vst v63  }
0xb6: {  	s26 =	simm.s32 $0x6880  }
0xb7: {  	[tilespmem:s26], [sflag:$0x1] =	stream.indirect_vreg.gather [hbm4b:s9+s3], $0x80, v3, vm0, $0xb8;
	[tilespmem:$0x18080] =	vst v63  }
0xb8: {  	s13 =	simm.s32 $0x7080  }
0xb9: {  	[tilespmem:s13], [sflag:$0x1] =	stream.indirect_vreg.gather [hbm4b:s10+s3], $0x80, v3, vm0, $0xb8;
	[tilespmem:$0x18080] =	vst v63  }
0xba: {  	s26 =	simm.s32 $0x7880  }
0xbb: {  	[tilespmem:s26], [sflag:$0x1] =	stream.indirect_vreg.gather [hbm4b:s11+s3], $0x80, v3, vm0, $0xb8;
	[tilespmem:$0x18080] =	vst v63  }
0xbc: {  	s26 =	simm.s32 $0x3  }
0xbd: {  	_ =	swait.ge [sflag:s26], $0x8000  }
0xbe: {  	[sflag:s26] =	ssyncset.done $0x0  }
0xbf: {  	s4 =	rddreg [dreg:$0x6];
	[sflag:s26] =	ssyncadd.s32 $0xFFFF8000  }
0xc0: {  	[hbm4b:s4+s3] =	stream.linear.scatter [tilespmem:s14], [sflag:$0x6], $0x8000, $0x38;
	[tilespmem:$0x18080] =	vst v63  }
0xc1: {  	_ =	swait.ge [sflag:s2], $0x8000  }
0xc2: {  	[sflag:s2] =	ssyncset.done $0x0  }
0xc3: {  	[sflag:s2] =	ssyncadd.s32 $0xFFFF8000  }
0xc4: {  	v3 =	vld [tilespmem:$0x40];
	_ =	sdelay $0x4  }
0xc5: {  	v60 =	vshll.u32 v3, $0x4  }
0xc6: {  	v3 =	vand.u32 $0x7, v3;
	v4 =	vand.u32 $0xFFFFFF80, v60  }
0xc7: {  	v3 =	vor.u32 v3, v4  }
0xc8: {  	v4 =	vperm.xlane v3, v0;
	_ =	sdelay $0x1  }
0xc9: {  	v4 =	vadd.s32 v1, v4;
	_ =	sdelay $0x4  }
0xca: {  	[tilespmem:s0], [sflag:$0x2] =	stream.indirect_vreg.gather [hbm4b:s1+s3], $0x80, v4, vm0, $0xb8;
	[tilespmem:$0x18080] =	vst v63  }
0xcb: {  	s13 =	simm.s32 $0x8880  }
0xcc: {  	[tilespmem:s13], [sflag:$0x2] =	stream.indirect_vreg.gather [hbm4b:s5+s3], $0x80, v4, vm0, $0xb8;
	[tilespmem:$0x18080] =	vst v63  }
0xcd: {  	s13 =	simm.s32 $0x9080  }
0xce: {  	[tilespmem:s13], [sflag:$0x2] =	stream.indirect_vreg.gather [hbm4b:s6+s3], $0x80, v4, vm0, $0xb8;
	[tilespmem:$0x18080] =	vst v63  }
0xcf: {  	s13 =	simm.s32 $0x9880  }
0xd0: {  	[tilespmem:s13], [sflag:$0x2] =	stream.indirect_vreg.gather [hbm4b:s7+s3], $0x80, v4, vm0, $0xb8;
	[tilespmem:$0x18080] =	vst v63  }
0xd1: {  	s13 =	simm.s32 $0xA080  }
0xd2: {  	[tilespmem:s13], [sflag:$0x2] =	stream.indirect_vreg.gather [hbm4b:s8+s3], $0x80, v4, vm0, $0xb8;
	[tilespmem:$0x18080] =	vst v63  }
0xd3: {  	v3 =	vperm.xlane v3, v2;
	s13 =	simm.s32 $0xA880  }
0xd4: {  	[tilespmem:s13], [sflag:$0x2] =	stream.indirect_vreg.gather [hbm4b:s9+s3], $0x80, v4, vm0, $0xb8;
	[tilespmem:$0x18080] =	vst v63  }
0xd5: {  	v3 =	vadd.s32 v1, v3;
	s13 =	simm.s32 $0xB080  }
0xd6: {  	[tilespmem:s13], [sflag:$0x2] =	stream.indirect_vreg.gather [hbm4b:s10+s3], $0x80, v4, vm0, $0xb8;
	[tilespmem:$0x18080] =	vst v63  }
0xd7: {  	s13 =	simm.s32 $0xB880  }
0xd8: {  	[tilespmem:s13], [sflag:$0x2] =	stream.indirect_vreg.gather [hbm4b:s11+s3], $0x80, v4, vm0, $0xb8;
	[tilespmem:$0x18080] =	vst v63  }
0xd9: {  	s13 =	simm.s32 $0xC080  }
0xda: {  	[tilespmem:s13], [sflag:$0x2] =	stream.indirect_vreg.gather [hbm4b:s1+s3], $0x80, v3, vm0, $0xb8;
	[tilespmem:$0x18080] =	vst v63  }
0xdb: {  	s13 =	simm.s32 $0xC880  }
0xdc: {  	[tilespmem:s13], [sflag:$0x2] =	stream.indirect_vreg.gather [hbm4b:s5+s3], $0x80, v3, vm0, $0xb8;
	[tilespmem:$0x18080] =	vst v63  }
0xdd: {  	s13 =	simm.s32 $0xD080  }
0xde: {  	[tilespmem:s13], [sflag:$0x2] =	stream.indirect_vreg.gather [hbm4b:s6+s3], $0x80, v3, vm0, $0xb8;
	[tilespmem:$0x18080] =	vst v63  }
0xdf: {  	s13 =	simm.s32 $0xD880  }
0xe0: {  	[tilespmem:s13], [sflag:$0x2] =	stream.indirect_vreg.gather [hbm4b:s7+s3], $0x80, v3, vm0, $0xb8;
	[tilespmem:$0x18080] =	vst v63  }
0xe1: {  	s13 =	simm.s32 $0xE080  }
0xe2: {  	[tilespmem:s13], [sflag:$0x2] =	stream.indirect_vreg.gather [hbm4b:s8+s3], $0x80, v3, vm0, $0xb8;
	[tilespmem:$0x18080] =	vst v63  }
0xe3: {  	s13 =	simm.s32 $0xE880  }
0xe4: {  	[tilespmem:s13], [sflag:$0x2] =	stream.indirect_vreg.gather [hbm4b:s9+s3], $0x80, v3, vm0, $0xb8;
	[tilespmem:$0x18080] =	vst v63  }
0xe5: {  	s13 =	simm.s32 $0xF080  }
0xe6: {  	[tilespmem:s13], [sflag:$0x2] =	stream.indirect_vreg.gather [hbm4b:s10+s3], $0x80, v3, vm0, $0xb8;
	[tilespmem:$0x18080] =	vst v63  }
0xe7: {  	s13 =	simm.s32 $0xF880  }
0xe8: {  	[tilespmem:s13], [sflag:$0x2] =	stream.indirect_vreg.gather [hbm4b:s11+s3], $0x80, v3, vm0, $0xb8;
	[tilespmem:$0x18080] =	vst v63  }
0xe9: {  	_ =	swait.ge [sflag:s15], $0x8000  }
0xea: {  	[sflag:s15] =	ssyncset.done $0x0  }
0xeb: {  	s4 =	rddreg [dreg:$0x7];
	[sflag:s15] =	ssyncadd.s32 $0xFFFF8000  }
0xec: {  	[hbm4b:s4+s3] =	stream.linear.scatter [tilespmem:s31], [sflag:$0x4], $0x8000, $0x38;
	[tilespmem:$0x18080] =	vst v63  }
0xed: {  	s4 =	simm.s32 $0x6  }
0xee: {  	_ =	swait.ge [sflag:s4], $0x8000  }
0xef: {  	[sflag:s4] =	ssyncset.done $0x0  }
0xf0: {  	[sflag:s4] =	ssyncadd.s32 $0xFFFF8000  }
0xf1: {  	v3 =	vld [tilespmem:$0x50];
	_ =	sdelay $0x4  }
0xf2: {  	v61 =	vshll.u32 v3, $0x4  }
0xf3: {  	v3 =	vand.u32 $0x7, v3;
	v4 =	vand.u32 $0xFFFFFF80, v61  }
0xf4: {  	v3 =	vor.u32 v3, v4  }
0xf5: {  	v4 =	vperm.xlane v3, v0;
	_ =	sdelay $0x1  }
0xf6: {  	v4 =	vadd.s32 v1, v4;
	_ =	sdelay $0x4  }
0xf7: {  	[tilespmem:s14], [sflag:$0x3] =	stream.indirect_vreg.gather [hbm4b:s1+s3], $0x80, v4, vm0, $0xb8;
	[tilespmem:$0x18080] =	vst v63  }
0xf8: {  	s13 =	simm.s32 $0x10880  }
0xf9: {  	[tilespmem:s13], [sflag:$0x3] =	stream.indirect_vreg.gather [hbm4b:s5+s3], $0x80, v4, vm0, $0xb8;
	[tilespmem:$0x18080] =	vst v63  }
0xfa: {  	_ = 	snop  }
0xfb: {  	[tilespmem:s16], [sflag:$0x3] =	stream.indirect_vreg.gather [hbm4b:s6+s3], $0x80, v4, vm0, $0xb8;
	[tilespmem:$0x18080] =	vst v63  }
0xfc: {  	_ = 	snop  }
0xfd: {  	[tilespmem:s17], [sflag:$0x3] =	stream.indirect_vreg.gather [hbm4b:s7+s3], $0x80, v4, vm0, $0xb8;
	[tilespmem:$0x18080] =	vst v63  }
0xfe: {  	_ = 	snop  }
0xff: {  	[tilespmem:s18], [sflag:$0x3] =	stream.indirect_vreg.gather [hbm4b:s8+s3], $0x80, v4, vm0, $0xb8;
	[tilespmem:$0x18080] =	vst v63  }
0x100: {  	v3 =	vperm.xlane v3, v2  }
0x101: {  	[tilespmem:s19], [sflag:$0x3] =	stream.indirect_vreg.gather [hbm4b:s9+s3], $0x80, v4, vm0, $0xb8;
	[tilespmem:$0x18080] =	vst v63  }
0x102: {  	v3 =	vadd.s32 v1, v3  }
0x103: {  	[tilespmem:s20], [sflag:$0x3] =	stream.indirect_vreg.gather [hbm4b:s10+s3], $0x80, v4, vm0, $0xb8;
	[tilespmem:$0x18080] =	vst v63  }
0x104: {  	_ = 	snop  }
0x105: {  	[tilespmem:s21], [sflag:$0x3] =	stream.indirect_vreg.gather [hbm4b:s11+s3], $0x80, v4, vm0, $0xb8;
	[tilespmem:$0x18080] =	vst v63  }
0x106: {  	_ = 	snop  }
0x107: {  	[tilespmem:s22], [sflag:$0x3] =	stream.indirect_vreg.gather [hbm4b:s1+s3], $0x80, v3, vm0, $0xb8;
	[tilespmem:$0x18080] =	vst v63  }
0x108: {  	_ = 	snop  }
0x109: {  	[tilespmem:s23], [sflag:$0x3] =	stream.indirect_vreg.gather [hbm4b:s5+s3], $0x80, v3, vm0, $0xb8;
	[tilespmem:$0x18080] =	vst v63  }
0x10a: {  	_ = 	snop  }
0x10b: {  	[tilespmem:s24], [sflag:$0x3] =	stream.indirect_vreg.gather [hbm4b:s6+s3], $0x80, v3, vm0, $0xb8;
	[tilespmem:$0x18080] =	vst v63  }
0x10c: {  	_ = 	snop  }
0x10d: {  	[tilespmem:s25], [sflag:$0x3] =	stream.indirect_vreg.gather [hbm4b:s7+s3], $0x80, v3, vm0, $0xb8;
	[tilespmem:$0x18080] =	vst v63  }
0x10e: {  	_ = 	snop  }
0x10f: {  	[tilespmem:s28], [sflag:$0x3] =	stream.indirect_vreg.gather [hbm4b:s8+s3], $0x80, v3, vm0, $0xb8;
	[tilespmem:$0x18080] =	vst v63  }
0x110: {  	s13 =	simm.s32 $0x16880  }
0x111: {  	[tilespmem:s13], [sflag:$0x3] =	stream.indirect_vreg.gather [hbm4b:s9+s3], $0x80, v3, vm0, $0xb8;
	[tilespmem:$0x18080] =	vst v63  }
0x112: {  	s13 =	simm.s32 $0x17080  }
0x113: {  	[tilespmem:s13], [sflag:$0x3] =	stream.indirect_vreg.gather [hbm4b:s10+s3], $0x80, v3, vm0, $0xb8;
	[tilespmem:$0x18080] =	vst v63  }
0x114: {  	s13 =	simm.s32 $0x17880  }
0x115: {  	[tilespmem:s13], [sflag:$0x3] =	stream.indirect_vreg.gather [hbm4b:s11+s3], $0x80, v3, vm0, $0xb8;
	[tilespmem:$0x18080] =	vst v63  }
0x116: {  	_ =	swait.ge [sflag:s29], $0x8000  }
0x117: {  	[sflag:s29] =	ssyncset.done $0x0  }
0x118: {  	s13 =	rddreg [dreg:$0x8];
	[sflag:s29] =	ssyncadd.s32 $0xFFFF8000  }
0x119: {  	[hbm4b:s13+s3] =	stream.linear.scatter [tilespmem:s0], [sflag:$0x5], $0x8000, $0x38;
	[tilespmem:$0x18080] =	vst v63  }
0x11a: {  	_ =	swait.ge [sflag:s30], $0x8000  }
0x11b: {  	[sflag:s30] =	ssyncset.done $0x0  }
0x11c: {  	[sflag:s30] =	ssyncadd.s32 $0xFFFF8000  }
0x11d: {  	v3 =	vld [tilespmem:$0x60];
	_ =	sdelay $0x4  }
0x11e: {  	v62 =	vshll.u32 v3, $0x4  }
0x11f: {  	v3 =	vand.u32 $0x7, v3;
	v4 =	vand.u32 $0xFFFFFF80, v62  }
0x120: {  	v3 =	vor.u32 v3, v4  }
0x121: {  	v4 =	vperm.xlane v3, v0;
	_ =	sdelay $0x1  }
0x122: {  	v4 =	vadd.s32 v1, v4;
	_ =	sdelay $0x4  }
0x123: {  	[tilespmem:s31], [sflag:$0x1] =	stream.indirect_vreg.gather [hbm4b:s1+s3], $0x80, v4, vm0, $0xb8;
	[tilespmem:$0x18080] =	vst v63  }
0x124: {  	s13 =	simm.s32 $0x880  }
0x125: {  	[tilespmem:s13], [sflag:$0x1] =	stream.indirect_vreg.gather [hbm4b:s5+s3], $0x80, v4, vm0, $0xb8;
	[tilespmem:$0x18080] =	vst v63  }
0x126: {  	s13 =	simm.s32 $0x1080  }
0x127: {  	[tilespmem:s13], [sflag:$0x1] =	stream.indirect_vreg.gather [hbm4b:s6+s3], $0x80, v4, vm0, $0xb8;
	[tilespmem:$0x18080] =	vst v63  }
0x128: {  	s13 =	simm.s32 $0x1880  }
0x129: {  	[tilespmem:s13], [sflag:$0x1] =	stream.indirect_vreg.gather [hbm4b:s7+s3], $0x80, v4, vm0, $0xb8;
	[tilespmem:$0x18080] =	vst v63  }
0x12a: {  	s13 =	simm.s32 $0x2080  }
0x12b: {  	[tilespmem:s13], [sflag:$0x1] =	stream.indirect_vreg.gather [hbm4b:s8+s3], $0x80, v4, vm0, $0xb8;
	[tilespmem:$0x18080] =	vst v63  }
0x12c: {  	v3 =	vperm.xlane v3, v2;
	s13 =	simm.s32 $0x2880  }
0x12d: {  	[tilespmem:s13], [sflag:$0x1] =	stream.indirect_vreg.gather [hbm4b:s9+s3], $0x80, v4, vm0, $0xb8;
	[tilespmem:$0x18080] =	vst v63  }
0x12e: {  	v3 =	vadd.s32 v1, v3;
	s13 =	simm.s32 $0x3080  }
0x12f: {  	[tilespmem:s13], [sflag:$0x1] =	stream.indirect_vreg.gather [hbm4b:s10+s3], $0x80, v4, vm0, $0xb8;
	[tilespmem:$0x18080] =	vst v63  }
0x130: {  	s13 =	simm.s32 $0x3880  }
0x131: {  	[tilespmem:s13], [sflag:$0x1] =	stream.indirect_vreg.gather [hbm4b:s11+s3], $0x80, v4, vm0, $0xb8;
	[tilespmem:$0x18080] =	vst v63  }
0x132: {  	s13 =	simm.s32 $0x4080  }
0x133: {  	[tilespmem:s13], [sflag:$0x1] =	stream.indirect_vreg.gather [hbm4b:s1+s3], $0x80, v3, vm0, $0xb8;
	[tilespmem:$0x18080] =	vst v63  }
0x134: {  	s13 =	simm.s32 $0x4880  }
0x135: {  	[tilespmem:s13], [sflag:$0x1] =	stream.indirect_vreg.gather [hbm4b:s5+s3], $0x80, v3, vm0, $0xb8;
	[tilespmem:$0x18080] =	vst v63  }
0x136: {  	s13 =	simm.s32 $0x5080  }
0x137: {  	[tilespmem:s13], [sflag:$0x1] =	stream.indirect_vreg.gather [hbm4b:s6+s3], $0x80, v3, vm0, $0xb8;
	[tilespmem:$0x18080] =	vst v63  }
0x138: {  	s13 =	simm.s32 $0x5880  }
0x139: {  	[tilespmem:s13], [sflag:$0x1] =	stream.indirect_vreg.gather [hbm4b:s7+s3], $0x80, v3, vm0, $0xb8;
	[tilespmem:$0x18080] =	vst v63  }
0x13a: {  	s13 =	simm.s32 $0x6080  }
0x13b: {  	[tilespmem:s13], [sflag:$0x1] =	stream.indirect_vreg.gather [hbm4b:s8+s3], $0x80, v3, vm0, $0xb8;
	[tilespmem:$0x18080] =	vst v63  }
0x13c: {  	s13 =	simm.s32 $0x6880  }
0x13d: {  	[tilespmem:s13], [sflag:$0x1] =	stream.indirect_vreg.gather [hbm4b:s9+s3], $0x80, v3, vm0, $0xb8;
	[tilespmem:$0x18080] =	vst v63  }
0x13e: {  	s13 =	simm.s32 $0x7080  }
0x13f: {  	[tilespmem:s13], [sflag:$0x1] =	stream.indirect_vreg.gather [hbm4b:s10+s3], $0x80, v3, vm0, $0xb8;
	[tilespmem:$0x18080] =	vst v63  }
0x140: {  	s13 =	simm.s32 $0x7880  }
0x141: {  	[tilespmem:s13], [sflag:$0x1] =	stream.indirect_vreg.gather [hbm4b:s11+s3], $0x80, v3, vm0, $0xb8;
	[tilespmem:$0x18080] =	vst v63  }
0x142: {  	_ =	swait.ge [sflag:s26], $0x8000  }
0x143: {  	[sflag:s26] =	ssyncset.done $0x0  }
0x144: {  	s13 =	rddreg [dreg:$0x9];
	[sflag:s26] =	ssyncadd.s32 $0xFFFF8000  }
0x145: {  	[hbm4b:s13+s3] =	stream.linear.scatter [tilespmem:s14], [sflag:$0x6], $0x8000, $0x38;
	[tilespmem:$0x18080] =	vst v63  }
0x146: {  	_ =	swait.ge [sflag:s2], $0x8000  }
0x147: {  	[sflag:s2] =	ssyncset.done $0x0  }
0x148: {  	[sflag:s2] =	ssyncadd.s32 $0xFFFF8000  }
0x149: {  	v3 =	vld [tilespmem:$0x70];
	_ =	sdelay $0x4  }
0x14a: {  	v63 =	vshll.u32 v3, $0x4  }
0x14b: {  	v3 =	vand.u32 $0x7, v3;
	v4 =	vand.u32 $0xFFFFFF80, v63  }
0x14c: {  	v3 =	vor.u32 v3, v4  }
0x14d: {  	v4 =	vperm.xlane v3, v0;
	_ =	sdelay $0x1  }
0x14e: {  	v4 =	vadd.s32 v1, v4;
	_ =	sdelay $0x4  }
0x14f: {  	[tilespmem:s0], [sflag:$0x2] =	stream.indirect_vreg.gather [hbm4b:s1+s3], $0x80, v4, vm0, $0xb8;
	[tilespmem:$0x18080] =	vst v63  }
0x150: {  	s26 =	simm.s32 $0x8880  }
0x151: {  	[tilespmem:s26], [sflag:$0x2] =	stream.indirect_vreg.gather [hbm4b:s5+s3], $0x80, v4, vm0, $0xb8;
	[tilespmem:$0x18080] =	vst v63  }
0x152: {  	s26 =	simm.s32 $0x9080  }
0x153: {  	[tilespmem:s26], [sflag:$0x2] =	stream.indirect_vreg.gather [hbm4b:s6+s3], $0x80, v4, vm0, $0xb8;
	[tilespmem:$0x18080] =	vst v63  }
0x154: {  	s26 =	simm.s32 $0x9880  }
0x155: {  	[tilespmem:s26], [sflag:$0x2] =	stream.indirect_vreg.gather [hbm4b:s7+s3], $0x80, v4, vm0, $0xb8;
	[tilespmem:$0x18080] =	vst v63  }
0x156: {  	s26 =	simm.s32 $0xA080  }
0x157: {  	[tilespmem:s26], [sflag:$0x2] =	stream.indirect_vreg.gather [hbm4b:s8+s3], $0x80, v4, vm0, $0xb8;
	[tilespmem:$0x18080] =	vst v63  }
0x158: {  	v3 =	vperm.xlane v3, v2;
	s26 =	simm.s32 $0xA880  }
0x159: {  	[tilespmem:s26], [sflag:$0x2] =	stream.indirect_vreg.gather [hbm4b:s9+s3], $0x80, v4, vm0, $0xb8;
	[tilespmem:$0x18080] =	vst v63  }
0x15a: {  	v3 =	vadd.s32 v1, v3;
	s26 =	simm.s32 $0xB080  }
0x15b: {  	[tilespmem:s26], [sflag:$0x2] =	stream.indirect_vreg.gather [hbm4b:s10+s3], $0x80, v4, vm0, $0xb8;
	[tilespmem:$0x18080] =	vst v63  }
0x15c: {  	s26 =	simm.s32 $0xB880  }
0x15d: {  	[tilespmem:s26], [sflag:$0x2] =	stream.indirect_vreg.gather [hbm4b:s11+s3], $0x80, v4, vm0, $0xb8;
	[tilespmem:$0x18080] =	vst v63  }
0x15e: {  	s26 =	simm.s32 $0xC080  }
0x15f: {  	[tilespmem:s26], [sflag:$0x2] =	stream.indirect_vreg.gather [hbm4b:s1+s3], $0x80, v3, vm0, $0xb8;
	[tilespmem:$0x18080] =	vst v63  }
0x160: {  	s26 =	simm.s32 $0xC880  }
0x161: {  	[tilespmem:s26], [sflag:$0x2] =	stream.indirect_vreg.gather [hbm4b:s5+s3], $0x80, v3, vm0, $0xb8;
	[tilespmem:$0x18080] =	vst v63  }
0x162: {  	s26 =	simm.s32 $0xD080  }
0x163: {  	[tilespmem:s26], [sflag:$0x2] =	stream.indirect_vreg.gather [hbm4b:s6+s3], $0x80, v3, vm0, $0xb8;
	[tilespmem:$0x18080] =	vst v63  }
0x164: {  	s26 =	simm.s32 $0xD880  }
0x165: {  	[tilespmem:s26], [sflag:$0x2] =	stream.indirect_vreg.gather [hbm4b:s7+s3], $0x80, v3, vm0, $0xb8;
	[tilespmem:$0x18080] =	vst v63  }
0x166: {  	s26 =	simm.s32 $0xE080  }
0x167: {  	[tilespmem:s26], [sflag:$0x2] =	stream.indirect_vreg.gather [hbm4b:s8+s3], $0x80, v3, vm0, $0xb8;
	[tilespmem:$0x18080] =	vst v63  }
0x168: {  	s26 =	simm.s32 $0xE880  }
0x169: {  	[tilespmem:s26], [sflag:$0x2] =	stream.indirect_vreg.gather [hbm4b:s9+s3], $0x80, v3, vm0, $0xb8;
	[tilespmem:$0x18080] =	vst v63  }
0x16a: {  	s26 =	simm.s32 $0xF080  }
0x16b: {  	[tilespmem:s26], [sflag:$0x2] =	stream.indirect_vreg.gather [hbm4b:s10+s3], $0x80, v3, vm0, $0xb8;
	[tilespmem:$0x18080] =	vst v63  }
0x16c: {  	s26 =	simm.s32 $0xF880  }
0x16d: {  	[tilespmem:s26], [sflag:$0x2] =	stream.indirect_vreg.gather [hbm4b:s11+s3], $0x80, v3, vm0, $0xb8;
	[tilespmem:$0x18080] =	vst v63  }
0x16e: {  	_ =	swait.ge [sflag:s15], $0x8000  }
0x16f: {  	[sflag:s15] =	ssyncset.done $0x0  }
0x170: {  	s26 =	rddreg [dreg:$0xa];
	[sflag:s15] =	ssyncadd.s32 $0xFFFF8000  }
0x171: {  	[hbm4b:s26+s3] =	stream.linear.scatter [tilespmem:s31], [sflag:$0x4], $0x8000, $0x38;
	[tilespmem:$0x18080] =	vst v63  }
0x172: {  	_ =	swait.ge [sflag:s29], $0x8000  }
0x173: {  	[sflag:s29] =	ssyncset.done $0x0  }
0x174: {  	s26 =	rddreg [dreg:$0xb];
	[sflag:s29] =	ssyncadd.s32 $0xFFFF8000  }
0x175: {  	[hbm4b:s26+s3] =	stream.linear.scatter [tilespmem:s0], [sflag:$0x5], $0x8000, $0x38;
	[tilespmem:$0x18080] =	vst v63  }
0x176: {  	_ =	swait.ge [sflag:s4], $0x8000  }
0x177: {  	[sflag:s4] =	ssyncset.done $0x0  }
0x178: {  	[sflag:s4] =	ssyncadd.s32 $0xFFFF8000  }
0x179: {  	p0 =	sne.s32 s12, $0x1;
	_ =	swait.ge [sflag:s30], $0x8000  }
.Ltmp0:
0x17a: {  	[sflag:s30] =	ssyncset.done $0x0;
	(pc) =	sbr.rel @p0 .LBB2_1-.Ltmp0, $4  }
0x17b: {  	[sflag:s30] =	ssyncadd.s32 $0xFFFF8000  }
0x17c: {  	_ =	swait.ge [sflag:s2], $0x8000  }
0x17d: {  	[sflag:s2] =	ssyncset.done $0x0  }
0x17e: {  	s12 =	sadd.s32 $0xFFFFFFFF, s12;
	[sflag:s2] =	ssyncadd.s32 $0xFFFF8000  }
0x17f: {  	_ =	sfence.sel $0x180000  }
0x180: {  	[bflag:$0x0] =	sbarrier.arrive $0xFFFF  }
0x181: {  	_ =	strace $0x90000047  }
0x182: {  	s0 =	stileid.u32;
	[bflag:$0x2] =	sbarrier.arrive $0xFFFF  }
0x183: {  	p0 =	sne.s32 s0, $0x0;
	s0 =	rddreg [dreg:$0x3]  }
0x184: {  	s0 =	sadd.s32 @!p0 $0x100000, s0  }
0x185: {  	[sflag:s0] =	ssyncadd.tile.s32 @!p0 $0x1;
	_ =	shalt  }
.Lfunc_end2:
_tile_overlayer_lowered:
.L_overlay_start_2:
0x186: {  	(tag) =	ssettag $0x2  }
0x187: {  	s0 =	rddreg [dreg:$0x0];
	s2 =	stileid.u32  }
0x188: {  	s1 =	rddreg [dreg:$0x1];
	p0 =	sne.s32 s2, $0x0  }
0x189: {  	s3 =	rddreg [dreg:$0x2];
	[bflag:$0x3] =	sbarrier.arrive $0xFFFF;
	s2 =	simm.s32 @!p0 $0x1C07  }
0x18a: {  	[timem:s3], [sflag:s2] =	dma.local @!p0 [hbm:s0], s1  }
0x18b: {  	s0 =	simm.s32 @!p0 $0x7  }
0x18c: {  	_ =	swait.ge @!p0 [sflag:s0], s1  }
0x18d: {  	s1 =	ssub.s32 @!p0 $0x0, s1;
	[sflag:s0] =	ssyncset.done @!p0 $0x0  }
0x18e: {  	[sflag:s0] =	ssyncadd.s32 @!p0 s1  }
0x18f: {  	[bflag:$0x3] =	sbarrier.arrive $0xFFFF  }
0x190: {  	_ =	shalt  }

</sc_bundles>
